<compile_context>
chip_gen: v7x
topology: tpu7x:2x2x1
jax: 0.10.2.dev20260603
libtpu: 0.0.44.dev20260713+nightly
codegen_flags: <defaults>
</compile_context>

<pallas_src>
import functools

import jax
import jax.numpy as jnp
from jax import lax
from jax.experimental import pallas as pl
from jax.experimental.pallas import tpu as pltpu
from jax.experimental.pallas import tpu_sc as plsc

N = 10000
E = 320000
D = 128

NC = 2
NS = 16
NW = NC * NS
EPW = E // NW
CH = 125
NCH = EPW // CH
NP = 10240
RPS = NP // NS
DW = 16

_sc_mesh = functools.partial(
    plsc.VectorSubcoreMesh, core_axis_name="c", subcore_axis_name="s"
)


def _deg_body(g4_hbm, zeros_hbm, out_hbm, acc, ones_v, idx2):
    cid = lax.axis_index("c")
    sid = lax.axis_index("s")
    wid = cid * NS + sid

    pltpu.sync_copy(zeros_hbm, acc.at[pl.ds(sid * RPS, RPS)])

    ones16 = jnp.ones((16,), jnp.float32)
    for i in range(128 // 16):
        ones_v[pl.ds(i * 16, 16)] = ones16

    pltpu.sync_copy(g4_hbm.at[1, wid], idx2)

    plsc.subcore_barrier()

    def chunk(c, carry):
        pltpu.sync_copy(ones_v.at[pl.ds(0, CH)], acc.at[idx2.at[c]], add=True)
        return carry

    lax.fori_loop(0, NCH, chunk, 0)

    plsc.subcore_barrier()
    pltpu.sync_copy(
        acc.at[pl.ds(sid * RPS, RPS)],
        out_hbm.at[pl.ds(cid * NP + sid * RPS, RPS)],
    )


_deg_call = pl.kernel(
    _deg_body,
    out_type=jax.ShapeDtypeStruct((NC * NP,), jnp.float32),
    mesh=_sc_mesh(),
    scratch_types=[
        pltpu.VMEM_SHARED((NP,), jnp.float32),
        pltpu.VMEM((128,), jnp.float32),
        pltpu.VMEM((NCH, CH), jnp.int32),
    ],
)


def _agg_body(g4_hbm, hs_hbm, zeros_hbm, out_hbm,
              acc, ibuf, rows, gsem, isem):
    cid = lax.axis_index("c")
    sid = lax.axis_index("s")
    wid = cid * NS + sid

    @pl.when(cid == 0)
    def _():
        pltpu.sync_copy(
            hs_hbm.at[pl.ds(sid * RPS, RPS)], acc.at[pl.ds(sid * RPS, RPS)]
        )

    @pl.when(cid == 1)
    def _():
        pltpu.sync_copy(zeros_hbm, acc.at[pl.ds(sid * RPS, RPS)])

    def issue_idx(cc, b):
        pltpu.async_copy(g4_hbm.at[0, wid, cc], ibuf.at[b, 0], isem)
        pltpu.async_copy(g4_hbm.at[1, wid, cc], ibuf.at[b, 1], isem)

    def wait_idx(b):
        pltpu.make_async_copy(g4_hbm.at[0, wid, 0], ibuf.at[b, 0], isem).wait()
        pltpu.make_async_copy(g4_hbm.at[0, wid, 0], ibuf.at[b, 1], isem).wait()

    plsc.subcore_barrier()

    issue_idx(0, 0)
    issue_idx(1, 1)
    wait_idx(0)
    pltpu.async_copy(hs_hbm.at[ibuf.at[0, 0]], rows.at[0], gsem)

    def pair(c, carry):
        for b in range(2):
            cc = 2 * c + b
            pltpu.make_async_copy(
                hs_hbm.at[ibuf.at[b, 0]], rows.at[b], gsem
            ).wait()

            @pl.when(cc + 1 < NCH)
            def _():
                wait_idx(1 - b)
                pltpu.async_copy(
                    hs_hbm.at[ibuf.at[1 - b, 0]], rows.at[1 - b], gsem
                )

            pltpu.sync_copy(rows.at[b], acc.at[ibuf.at[b, 1]], add=True)

            @pl.when(cc + 2 < NCH)
            def _():
                issue_idx(cc + 2, b)
        return carry

    lax.fori_loop(0, NCH // 2, pair, 0)

    plsc.subcore_barrier()
    pltpu.sync_copy(
        acc.at[pl.ds(sid * RPS, RPS)],
        out_hbm.at[cid, pl.ds(sid * RPS, RPS)],
    )


_agg_call = pl.kernel(
    _agg_body,
    out_type=jax.ShapeDtypeStruct((NC, NP, D), jnp.float32),
    mesh=_sc_mesh(),
    scratch_types=[
        pltpu.VMEM_SHARED((NP, D), jnp.float32),
        pltpu.VMEM((2, 2, CH), jnp.int32),
        pltpu.VMEM((2, CH, D), jnp.float32),
        pltpu.SemaphoreType.DMA,
        pltpu.SemaphoreType.DMA,
    ],
)


RB = 2000


def _dinv_of(deg_blk):
    return lax.rsqrt(deg_blk[:, 0:1] + deg_blk[:, 1:2] + 1.0)


def _mm_body(deg_ref, x_ref, w_ref, hs_ref):
    dinv = _dinv_of(deg_ref[...])
    h = jnp.dot(x_ref[...], w_ref[...], preferred_element_type=jnp.float32)
    hs_ref[...] = h * dinv


RB2 = 2048


def _mm_call(deg2, x, w):
    return pl.pallas_call(
        _mm_body,
        grid=(NP // RB2,),
        in_specs=[
            pl.BlockSpec((RB2, 2), lambda i: (i, 0)),
            pl.BlockSpec((RB2, D), lambda i: (i, 0)),
            pl.BlockSpec((D, D), lambda i: (0, 0)),
        ],
        out_specs=pl.BlockSpec((RB2, D), lambda i: (i, 0)),
        out_shape=jax.ShapeDtypeStruct((NP, D), jnp.float32),
    )(deg2, x, w)


def _fc_body(deg_ref, p0_ref, p1_ref, bc_ref, w1_ref, b1_ref,
             w2_ref, b2_ref, out_ref):
    dinv = _dinv_of(deg_ref[...])
    t = (p0_ref[0] + p1_ref[0]) * dinv + bc_ref[...]
    t = jnp.maximum(t, 0.0)
    t = jnp.dot(t, w1_ref[...], preferred_element_type=jnp.float32) + b1_ref[...]
    t = jnp.maximum(t, 0.0)
    out_ref[...] = (
        jnp.dot(t, w2_ref[...], preferred_element_type=jnp.float32) + b2_ref[...]
    )


def _fc_call(deg2, aggp, bc, w1, b1, w2, b2):
    row = lambda i: (i, 0)
    full = lambda i: (0, 0)
    return pl.pallas_call(
        _fc_body,
        grid=(N // RB,),
        in_specs=[
            pl.BlockSpec((RB, 2), row),
            pl.BlockSpec((1, RB, D), lambda i: (0, i, 0)),
            pl.BlockSpec((1, RB, D), lambda i: (1, i, 0)),
            pl.BlockSpec((1, D), full),
            pl.BlockSpec((D, D), full),
            pl.BlockSpec((1, D), full),
            pl.BlockSpec((D, D), full),
            pl.BlockSpec((1, D), full),
        ],
        out_specs=pl.BlockSpec((RB, D), row),
        out_shape=jax.ShapeDtypeStruct((N, D), jnp.float32),
    )(deg2, aggp, aggp, bc, w1, b1, w2, b2)


def kernel(x, g, W_conv, b_conv, W_fc, b_fc, W_fc2, b_fc2):
    g4 = g.reshape(2, NW, NCH, CH)
    zeros_deg = jnp.zeros((RPS,), jnp.float32)
    zeros_agg = jnp.zeros((RPS, D), jnp.float32)

    degp = _deg_call(g4, zeros_deg)
    deg2 = degp.reshape(NC, NP)[:, :N].T
    hs = _mm_call(deg2, x, W_conv)
    aggp = _agg_call(g4, hs, zeros_agg)
    return _fc_call(
        deg2, aggp,
        b_conv[None, :], W_fc, b_fc[None, :], W_fc2, b_fc2[None, :],
    )

# --- scband reference (transcript-rebuilt; emitter-appended) ---
"""Pipeline reference for scband-ngnn-gcnconv-74904229642493 (READ-ONLY COPY).

The authoritative reference and input builder live on the scoring server;
editing this copy changes nothing except your own understanding.
"""

import jax, jax.numpy as jnp
import numpy as np

N = 10000
E = 320000
D = 128


def setup_inputs(seed: int = 0) -> dict:
    key = jax.random.key(seed)
    ks = jax.random.split(key, 8)
    x = jax.random.normal(ks[0], (N, D), dtype=jnp.float32)
    g = jax.random.randint(ks[1], (2, E), 0, N, dtype=jnp.int32)
    s = 1.0 / np.sqrt(D)
    W_conv = jax.random.uniform(ks[2], (D, D), dtype=jnp.float32, minval=-s, maxval=s)
    b_conv = jnp.zeros((D,), dtype=jnp.float32)
    W_fc = jax.random.uniform(ks[3], (D, D), dtype=jnp.float32, minval=-s, maxval=s)
    b_fc = jax.random.uniform(ks[4], (D,), dtype=jnp.float32, minval=-s, maxval=s)
    W_fc2 = jax.random.uniform(ks[5], (D, D), dtype=jnp.float32, minval=-s, maxval=s)
    b_fc2 = jax.random.uniform(ks[6], (D,), dtype=jnp.float32, minval=-s, maxval=s)
    return {"x": x, "g": g, "W_conv": W_conv, "b_conv": b_conv, "W_fc": W_fc, "b_fc": b_fc, "W_fc2": W_fc2, "b_fc2": b_fc2}


def _gcn_conv(x, g, W, b):
    # GCNConv: add self-loops, symmetric normalization D^-1/2 (A+I) D^-1/2 X W + b
    src = g[0]
    dst = g[1]
    loop = jnp.arange(N, dtype=src.dtype)
    src_f = jnp.concatenate([src, loop])
    dst_f = jnp.concatenate([dst, loop])
    h = x @ W
    ones = jnp.ones((src_f.shape[0],), dtype=x.dtype)
    deg = jax.ops.segment_sum(ones, dst_f, num_segments=N)
    dinv = jnp.where(deg > 0, jax.lax.rsqrt(jnp.maximum(deg, 1e-12)), 0.0)
    norm = dinv[src_f] * dinv[dst_f]
    msgs = jnp.take(h, src_f, axis=0) * norm[:, None]
    out = jax.ops.segment_sum(msgs, dst_f, num_segments=N)
    return out + b


def reference(x, g, W_conv, b_conv, W_fc, b_fc, W_fc2, b_fc2):
    h = _gcn_conv(x, g, W_conv, b_conv)
    # num_layers == 2 branch
    h = jnp.maximum(h, 0.0)
    h = h @ W_fc + b_fc
    h = jnp.maximum(h, 0.0)
    h = h @ W_fc2 + b_fc2
    return h

if __name__ == "__main__":
    import jax
    _d = setup_inputs()
    print(jax.jit(kernel)(*tuple(_d.values())))

</pallas_src>

<mosaic_0001>
#map = affine_map<(d0, d1) -> (0, 0, 0, 0)>
#map1 = affine_map<(d0, d1) -> (0, 0)>
#map2 = affine_map<(d0, d1) -> (0, 0, 0)>
module attributes {stable_mosaic.version = 14 : i64} {
  func.func @_agg_body(%arg0: i32, %arg1: i32, %arg2: memref<2x32x80x125xi32, #tpu.memory_space<hbm>>, %arg3: memref<10240x128xf32, #tpu.memory_space<hbm>>, %arg4: memref<640x128xf32, #tpu.memory_space<hbm>>, %arg5: memref<2x10240x128xf32, #tpu.memory_space<hbm>>, %arg6: memref<10240x128xf32, #tpu.memory_space<vmem_shared>>, %arg7: memref<2x2x125xi32, #tpu.memory_space<vmem>>, %arg8: memref<2x125x128xf32, #tpu.memory_space<vmem>>, %arg9: memref<!tpu.dma_semaphore, #tpu.memory_space<semaphore_mem>>, %arg10: memref<!tpu.dma_semaphore, #tpu.memory_space<semaphore_mem>>) attributes {dimension_semantics = [#tpu.dimension_semantics<core_parallel>, #tpu.dimension_semantics<subcore_parallel>], iteration_bounds = array<i64: 2, 16>, scalar_prefetch = 0 : i64, scratch_operands = 5 : i64, tpu.core_type = #tpu.core_type<sc_vector_subcore>, window_params = [{transform_indices = #map}, {transform_indices = #map1}, {transform_indices = #map1}, {transform_indices = #map2}]} {
    %mul3A = arith.constant 16 : i32
    %mul3A_0 = arith.muli %arg0, %mul3A : i32
    %add3A = arith.addi %mul3A_0, %arg1 : i32
    %eq3A = arith.constant 0 : i32
    %eq3A_1 = arith.cmpi eq, %arg0, %eq3A : i32
    %convert_element_type3A = arith.extui %eq3A_1 : i1 to i32
    %cond3A = arith.constant 0 : i32
    %cond3A_2 = arith.cmpi ne, %convert_element_type3A, %cond3A : i32
    scf.if %cond3A_2 {
      %mul3A_125 = arith.constant 640 : i32
      %mul3A_126 = arith.muli %arg1, %mul3A_125 : i32
      %mul3A_127 = arith.constant 640 : i32
      %mul3A_128 = arith.muli %arg1, %mul3A_127 : i32
      "tpu.region"() ({
        %run_scoped3A = tpu.sem_alloc : memref<!tpu.dma_semaphore, #tpu.memory_space<semaphore_mem>>
        %dma_start3A_129 = arith.constant 0 : i32
        %dma_start3A_130 = tpu.memref_slice %arg6[%mul3A_128, %dma_start3A_129] : memref<10240x128xf32, #tpu.memory_space<vmem_shared>> -> memref<640x128xf32, #tpu.memory_space<vmem_shared>>
        %dma_start3A_131 = arith.constant 0 : i32
        %dma_start3A_132 = tpu.memref_slice %arg3[%mul3A_126, %dma_start3A_131] : memref<10240x128xf32, #tpu.memory_space<hbm>> -> memref<640x128xf32, #tpu.memory_space<hbm>>
        tpu.enqueue_dma source(%dma_start3A_132 : memref<640x128xf32, #tpu.memory_space<hbm>>) target(%dma_start3A_130 : memref<640x128xf32, #tpu.memory_space<vmem_shared>>) target_semaphore(%run_scoped3A : memref<!tpu.dma_semaphore, #tpu.memory_space<semaphore_mem>>)
        %dma_wait3A_133 = arith.constant 0 : i32
        %dma_wait3A_134 = tpu.memref_slice %arg6[%mul3A_128, %dma_wait3A_133] : memref<10240x128xf32, #tpu.memory_space<vmem_shared>> -> memref<640x128xf32, #tpu.memory_space<vmem_shared>>
        %dma_wait3A_135 = arith.constant 0 : i32
        %dma_wait3A_136 = tpu.memref_slice %arg3[%mul3A_126, %dma_wait3A_135] : memref<10240x128xf32, #tpu.memory_space<hbm>> -> memref<640x128xf32, #tpu.memory_space<hbm>>
        tpu.wait_dma2 semaphore(%run_scoped3A : memref<!tpu.dma_semaphore, #tpu.memory_space<semaphore_mem>>) src(%dma_wait3A_136 : memref<640x128xf32, #tpu.memory_space<hbm>>) dst(%dma_wait3A_134 : memref<640x128xf32, #tpu.memory_space<vmem_shared>>)
        tpu.yield
      }) : () -> ()
    } else {
    }
    %eq3A_3 = arith.constant 1 : i32
    %eq3A_4 = arith.cmpi eq, %arg0, %eq3A_3 : i32
    %convert_element_type3A_5 = arith.extui %eq3A_4 : i1 to i32
    %cond3A_6 = arith.constant 0 : i32
    %cond3A_7 = arith.cmpi ne, %convert_element_type3A_5, %cond3A_6 : i32
    scf.if %cond3A_7 {
      %mul3A_125 = arith.constant 640 : i32
      %mul3A_126 = arith.muli %arg1, %mul3A_125 : i32
      "tpu.region"() ({
        %run_scoped3A = tpu.sem_alloc : memref<!tpu.dma_semaphore, #tpu.memory_space<semaphore_mem>>
        %dma_start3A_127 = arith.constant 0 : i32
        %dma_start3A_128 = tpu.memref_slice %arg6[%mul3A_126, %dma_start3A_127] : memref<10240x128xf32, #tpu.memory_space<vmem_shared>> -> memref<640x128xf32, #tpu.memory_space<vmem_shared>>
        tpu.enqueue_dma source(%arg4 : memref<640x128xf32, #tpu.memory_space<hbm>>) target(%dma_start3A_128 : memref<640x128xf32, #tpu.memory_space<vmem_shared>>) target_semaphore(%run_scoped3A : memref<!tpu.dma_semaphore, #tpu.memory_space<semaphore_mem>>)
        %dma_wait3A_129 = arith.constant 0 : i32
        %dma_wait3A_130 = tpu.memref_slice %arg6[%mul3A_126, %dma_wait3A_129] : memref<10240x128xf32, #tpu.memory_space<vmem_shared>> -> memref<640x128xf32, #tpu.memory_space<vmem_shared>>
        tpu.wait_dma2 semaphore(%run_scoped3A : memref<!tpu.dma_semaphore, #tpu.memory_space<semaphore_mem>>) src(%arg4 : memref<640x128xf32, #tpu.memory_space<hbm>>) dst(%dma_wait3A_130 : memref<640x128xf32, #tpu.memory_space<vmem_shared>>)
        tpu.yield
      }) : () -> ()
    } else {
    }
    %barrier3A = arith.constant 0 : index
    tpu.barrier barrier_id(%barrier3A)
    %dma_start3A = arith.constant 0 : i32
    %dma_start3A_8 = arith.constant 0 : i32
    %dma_start3A_9 = arith.constant 0 : i32
    %dma_start3A_10 = arith.constant 0 : i32
    %dma_start3A_11 = arith.constant 0 : i32
    %dma_start3A_12 = tpu.memref_slice %arg7[%dma_start3A_9, %dma_start3A_10, %dma_start3A_11] : memref<2x2x125xi32, #tpu.memory_space<vmem>> -> memref<1x1x125xi32, #tpu.memory_space<vmem>>
    %dma_start3A_13 = tpu.memref_squeeze %dma_start3A_12 : memref<1x1x125xi32, #tpu.memory_space<vmem>> -> memref<125xi32, #tpu.memory_space<vmem>>
    %dma_start3A_14 = arith.constant 0 : i32
    %dma_start3A_15 = tpu.memref_slice %arg2[%dma_start3A, %add3A, %dma_start3A_8, %dma_start3A_14] : memref<2x32x80x125xi32, #tpu.memory_space<hbm>> -> memref<1x1x1x125xi32, #tpu.memory_space<hbm>>
    %dma_start3A_16 = tpu.memref_squeeze %dma_start3A_15 : memref<1x1x1x125xi32, #tpu.memory_space<hbm>> -> memref<125xi32, #tpu.memory_space<hbm>>
    %dma_start3A_17 = arith.constant 0 : i32
    %dma_start3A_18 = tpu.memref_slice %arg7[%dma_start3A_9, %dma_start3A_10, %dma_start3A_17] : memref<2x2x125xi32, #tpu.memory_space<vmem>> -> memref<1x1x125xi32, #tpu.memory_space<vmem>>
    %dma_start3A_19 = tpu.memref_squeeze %dma_start3A_18 : memref<1x1x125xi32, #tpu.memory_space<vmem>> -> memref<125xi32, #tpu.memory_space<vmem>>
    %dma_start3A_20 = arith.constant 0 : i32
    %dma_start3A_21 = tpu.memref_slice %arg2[%dma_start3A, %add3A, %dma_start3A_8, %dma_start3A_20] : memref<2x32x80x125xi32, #tpu.memory_space<hbm>> -> memref<1x1x1x125xi32, #tpu.memory_space<hbm>>
    %dma_start3A_22 = tpu.memref_squeeze %dma_start3A_21 : memref<1x1x1x125xi32, #tpu.memory_space<hbm>> -> memref<125xi32, #tpu.memory_space<hbm>>
    tpu.enqueue_dma source(%dma_start3A_22 : memref<125xi32, #tpu.memory_space<hbm>>) target(%dma_start3A_19 : memref<125xi32, #tpu.memory_space<vmem>>) target_semaphore(%arg10 : memref<!tpu.dma_semaphore, #tpu.memory_space<semaphore_mem>>)
    %dma_start3A_23 = arith.constant 1 : i32
    %dma_start3A_24 = arith.constant 0 : i32
    %dma_start3A_25 = arith.constant 0 : i32
    %dma_start3A_26 = arith.constant 1 : i32
    %dma_start3A_27 = arith.constant 0 : i32
    %dma_start3A_28 = tpu.memref_slice %arg7[%dma_start3A_25, %dma_start3A_26, %dma_start3A_27] : memref<2x2x125xi32, #tpu.memory_space<vmem>> -> memref<1x1x125xi32, #tpu.memory_space<vmem>>
    %dma_start3A_29 = tpu.memref_squeeze %dma_start3A_28 : memref<1x1x125xi32, #tpu.memory_space<vmem>> -> memref<125xi32, #tpu.memory_space<vmem>>
    %dma_start3A_30 = arith.constant 0 : i32
    %dma_start3A_31 = tpu.memref_slice %arg2[%dma_start3A_23, %add3A, %dma_start3A_24, %dma_start3A_30] : memref<2x32x80x125xi32, #tpu.memory_space<hbm>> -> memref<1x1x1x125xi32, #tpu.memory_space<hbm>>
    %dma_start3A_32 = tpu.memref_squeeze %dma_start3A_31 : memref<1x1x1x125xi32, #tpu.memory_space<hbm>> -> memref<125xi32, #tpu.memory_space<hbm>>
    %dma_start3A_33 = arith.constant 0 : i32
    %dma_start3A_34 = tpu.memref_slice %arg7[%dma_start3A_25, %dma_start3A_26, %dma_start3A_33] : memref<2x2x125xi32, #tpu.memory_space<vmem>> -> memref<1x1x125xi32, #tpu.memory_space<vmem>>
    %dma_start3A_35 = tpu.memref_squeeze %dma_start3A_34 : memref<1x1x125xi32, #tpu.memory_space<vmem>> -> memref<125xi32, #tpu.memory_space<vmem>>
    %dma_start3A_36 = arith.constant 0 : i32
    %dma_start3A_37 = tpu.memref_slice %arg2[%dma_start3A_23, %add3A, %dma_start3A_24, %dma_start3A_36] : memref<2x32x80x125xi32, #tpu.memory_space<hbm>> -> memref<1x1x1x125xi32, #tpu.memory_space<hbm>>
    %dma_start3A_38 = tpu.memref_squeeze %dma_start3A_37 : memref<1x1x1x125xi32, #tpu.memory_space<hbm>> -> memref<125xi32, #tpu.memory_space<hbm>>
    tpu.enqueue_dma source(%dma_start3A_38 : memref<125xi32, #tpu.memory_space<hbm>>) target(%dma_start3A_35 : memref<125xi32, #tpu.memory_space<vmem>>) target_semaphore(%arg10 : memref<!tpu.dma_semaphore, #tpu.memory_space<semaphore_mem>>)
    %dma_start3A_39 = arith.constant 0 : i32
    %dma_start3A_40 = arith.constant 1 : i32
    %dma_start3A_41 = arith.constant 1 : i32
    %dma_start3A_42 = arith.constant 0 : i32
    %dma_start3A_43 = arith.constant 0 : i32
    %dma_start3A_44 = tpu.memref_slice %arg7[%dma_start3A_41, %dma_start3A_42, %dma_start3A_43] : memref<2x2x125xi32, #tpu.memory_space<vmem>> -> memref<1x1x125xi32, #tpu.memory_space<vmem>>
    %dma_start3A_45 = tpu.memref_squeeze %dma_start3A_44 : memref<1x1x125xi32, #tpu.memory_space<vmem>> -> memref<125xi32, #tpu.memory_space<vmem>>
    %dma_start3A_46 = arith.constant 0 : i32
    %dma_start3A_47 = tpu.memref_slice %arg2[%dma_start3A_39, %add3A, %dma_start3A_40, %dma_start3A_46] : memref<2x32x80x125xi32, #tpu.memory_space<hbm>> -> memref<1x1x1x125xi32, #tpu.memory_space<hbm>>
    %dma_start3A_48 = tpu.memref_squeeze %dma_start3A_47 : memref<1x1x1x125xi32, #tpu.memory_space<hbm>> -> memref<125xi32, #tpu.memory_space<hbm>>
    %dma_start3A_49 = arith.constant 0 : i32
    %dma_start3A_50 = tpu.memref_slice %arg7[%dma_start3A_41, %dma_start3A_42, %dma_start3A_49] : memref<2x2x125xi32, #tpu.memory_space<vmem>> -> memref<1x1x125xi32, #tpu.memory_space<vmem>>
    %dma_start3A_51 = tpu.memref_squeeze %dma_start3A_50 : memref<1x1x125xi32, #tpu.memory_space<vmem>> -> memref<125xi32, #tpu.memory_space<vmem>>
    %dma_start3A_52 = arith.constant 0 : i32
    %dma_start3A_53 = tpu.memref_slice %arg2[%dma_start3A_39, %add3A, %dma_start3A_40, %dma_start3A_52] : memref<2x32x80x125xi32, #tpu.memory_space<hbm>> -> memref<1x1x1x125xi32, #tpu.memory_space<hbm>>
    %dma_start3A_54 = tpu.memref_squeeze %dma_start3A_53 : memref<1x1x1x125xi32, #tpu.memory_space<hbm>> -> memref<125xi32, #tpu.memory_space<hbm>>
    tpu.enqueue_dma source(%dma_start3A_54 : memref<125xi32, #tpu.memory_space<hbm>>) target(%dma_start3A_51 : memref<125xi32, #tpu.memory_space<vmem>>) target_semaphore(%arg10 : memref<!tpu.dma_semaphore, #tpu.memory_space<semaphore_mem>>)
    %dma_start3A_55 = arith.constant 1 : i32
    %dma_start3A_56 = arith.constant 1 : i32
    %dma_start3A_57 = arith.constant 1 : i32
    %dma_start3A_58 = arith.constant 1 : i32
    %dma_start3A_59 = arith.constant 0 : i32
    %dma_start3A_60 = tpu.memref_slice %arg7[%dma_start3A_57, %dma_start3A_58, %dma_start3A_59] : memref<2x2x125xi32, #tpu.memory_space<vmem>> -> memref<1x1x125xi32, #tpu.memory_space<vmem>>
    %dma_start3A_61 = tpu.memref_squeeze %dma_start3A_60 : memref<1x1x125xi32, #tpu.memory_space<vmem>> -> memref<125xi32, #tpu.memory_space<vmem>>
    %dma_start3A_62 = arith.constant 0 : i32
    %dma_start3A_63 = tpu.memref_slice %arg2[%dma_start3A_55, %add3A, %dma_start3A_56, %dma_start3A_62] : memref<2x32x80x125xi32, #tpu.memory_space<hbm>> -> memref<1x1x1x125xi32, #tpu.memory_space<hbm>>
    %dma_start3A_64 = tpu.memref_squeeze %dma_start3A_63 : memref<1x1x1x125xi32, #tpu.memory_space<hbm>> -> memref<125xi32, #tpu.memory_space<hbm>>
    %dma_start3A_65 = arith.constant 0 : i32
    %dma_start3A_66 = tpu.memref_slice %arg7[%dma_start3A_57, %dma_start3A_58, %dma_start3A_65] : memref<2x2x125xi32, #tpu.memory_space<vmem>> -> memref<1x1x125xi32, #tpu.memory_space<vmem>>
    %dma_start3A_67 = tpu.memref_squeeze %dma_start3A_66 : memref<1x1x125xi32, #tpu.memory_space<vmem>> -> memref<125xi32, #tpu.memory_space<vmem>>
    %dma_start3A_68 = arith.constant 0 : i32
    %dma_start3A_69 = tpu.memref_slice %arg2[%dma_start3A_55, %add3A, %dma_start3A_56, %dma_start3A_68] : memref<2x32x80x125xi32, #tpu.memory_space<hbm>> -> memref<1x1x1x125xi32, #tpu.memory_space<hbm>>
    %dma_start3A_70 = tpu.memref_squeeze %dma_start3A_69 : memref<1x1x1x125xi32, #tpu.memory_space<hbm>> -> memref<125xi32, #tpu.memory_space<hbm>>
    tpu.enqueue_dma source(%dma_start3A_70 : memref<125xi32, #tpu.memory_space<hbm>>) target(%dma_start3A_67 : memref<125xi32, #tpu.memory_space<vmem>>) target_semaphore(%arg10 : memref<!tpu.dma_semaphore, #tpu.memory_space<semaphore_mem>>)
    %dma_wait3A = arith.constant 0 : i32
    %dma_wait3A_71 = arith.constant 0 : i32
    %dma_wait3A_72 = arith.constant 0 : i32
    %dma_wait3A_73 = arith.constant 0 : i32
    %dma_wait3A_74 = arith.constant 0 : i32
    %dma_wait3A_75 = tpu.memref_slice %arg7[%dma_wait3A_72, %dma_wait3A_73, %dma_wait3A_74] : memref<2x2x125xi32, #tpu.memory_space<vmem>> -> memref<1x1x125xi32, #tpu.memory_space<vmem>>
    %dma_wait3A_76 = tpu.memref_squeeze %dma_wait3A_75 : memref<1x1x125xi32, #tpu.memory_space<vmem>> -> memref<125xi32, #tpu.memory_space<vmem>>
    %dma_wait3A_77 = arith.constant 0 : i32
    %dma_wait3A_78 = tpu.memref_slice %arg2[%dma_wait3A, %add3A, %dma_wait3A_71, %dma_wait3A_77] : memref<2x32x80x125xi32, #tpu.memory_space<hbm>> -> memref<1x1x1x125xi32, #tpu.memory_space<hbm>>
    %dma_wait3A_79 = tpu.memref_squeeze %dma_wait3A_78 : memref<1x1x1x125xi32, #tpu.memory_space<hbm>> -> memref<125xi32, #tpu.memory_space<hbm>>
    %dma_wait3A_80 = arith.constant 0 : i32
    %dma_wait3A_81 = tpu.memref_slice %arg7[%dma_wait3A_72, %dma_wait3A_73, %dma_wait3A_80] : memref<2x2x125xi32, #tpu.memory_space<vmem>> -> memref<1x1x125xi32, #tpu.memory_space<vmem>>
    %dma_wait3A_82 = tpu.memref_squeeze %dma_wait3A_81 : memref<1x1x125xi32, #tpu.memory_space<vmem>> -> memref<125xi32, #tpu.memory_space<vmem>>
    %dma_wait3A_83 = arith.constant 0 : i32
    %dma_wait3A_84 = tpu.memref_slice %arg2[%dma_wait3A, %add3A, %dma_wait3A_71, %dma_wait3A_83] : memref<2x32x80x125xi32, #tpu.memory_space<hbm>> -> memref<1x1x1x125xi32, #tpu.memory_space<hbm>>
    %dma_wait3A_85 = tpu.memref_squeeze %dma_wait3A_84 : memref<1x1x1x125xi32, #tpu.memory_space<hbm>> -> memref<125xi32, #tpu.memory_space<hbm>>
    tpu.wait_dma2 semaphore(%arg10 : memref<!tpu.dma_semaphore, #tpu.memory_space<semaphore_mem>>) src(%dma_wait3A_85 : memref<125xi32, #tpu.memory_space<hbm>>) dst(%dma_wait3A_82 : memref<125xi32, #tpu.memory_space<vmem>>)
    %dma_wait3A_86 = arith.constant 0 : i32
    %dma_wait3A_87 = arith.constant 0 : i32
    %dma_wait3A_88 = arith.constant 0 : i32
    %dma_wait3A_89 = arith.constant 1 : i32
    %dma_wait3A_90 = arith.constant 0 : i32
    %dma_wait3A_91 = tpu.memref_slice %arg7[%dma_wait3A_88, %dma_wait3A_89, %dma_wait3A_90] : memref<2x2x125xi32, #tpu.memory_space<vmem>> -> memref<1x1x125xi32, #tpu.memory_space<vmem>>
    %dma_wait3A_92 = tpu.memref_squeeze %dma_wait3A_91 : memref<1x1x125xi32, #tpu.memory_space<vmem>> -> memref<125xi32, #tpu.memory_space<vmem>>
    %dma_wait3A_93 = arith.constant 0 : i32
    %dma_wait3A_94 = tpu.memref_slice %arg2[%dma_wait3A_86, %add3A, %dma_wait3A_87, %dma_wait3A_93] : memref<2x32x80x125xi32, #tpu.memory_space<hbm>> -> memref<1x1x1x125xi32, #tpu.memory_space<hbm>>
    %dma_wait3A_95 = tpu.memref_squeeze %dma_wait3A_94 : memref<1x1x1x125xi32, #tpu.memory_space<hbm>> -> memref<125xi32, #tpu.memory_space<hbm>>
    %dma_wait3A_96 = arith.constant 0 : i32
    %dma_wait3A_97 = tpu.memref_slice %arg7[%dma_wait3A_88, %dma_wait3A_89, %dma_wait3A_96] : memref<2x2x125xi32, #tpu.memory_space<vmem>> -> memref<1x1x125xi32, #tpu.memory_space<vmem>>
    %dma_wait3A_98 = tpu.memref_squeeze %dma_wait3A_97 : memref<1x1x125xi32, #tpu.memory_space<vmem>> -> memref<125xi32, #tpu.memory_space<vmem>>
    %dma_wait3A_99 = arith.constant 0 : i32
    %dma_wait3A_100 = tpu.memref_slice %arg2[%dma_wait3A_86, %add3A, %dma_wait3A_87, %dma_wait3A_99] : memref<2x32x80x125xi32, #tpu.memory_space<hbm>> -> memref<1x1x1x125xi32, #tpu.memory_space<hbm>>
    %dma_wait3A_101 = tpu.memref_squeeze %dma_wait3A_100 : memref<1x1x1x125xi32, #tpu.memory_space<hbm>> -> memref<125xi32, #tpu.memory_space<hbm>>
    tpu.wait_dma2 semaphore(%arg10 : memref<!tpu.dma_semaphore, #tpu.memory_space<semaphore_mem>>) src(%dma_wait3A_101 : memref<125xi32, #tpu.memory_space<hbm>>) dst(%dma_wait3A_98 : memref<125xi32, #tpu.memory_space<vmem>>)
    %dma_start3A_102 = arith.constant 0 : i32
    %dma_start3A_103 = arith.constant 0 : i32
    %dma_start3A_104 = arith.constant 0 : i32
    %dma_start3A_105 = arith.constant 0 : i32
    %dma_start3A_106 = arith.constant 0 : i32
    %dma_start3A_107 = tpu.memref_slice %arg8[%dma_start3A_104, %dma_start3A_105, %dma_start3A_106] : memref<2x125x128xf32, #tpu.memory_space<vmem>> -> memref<1x125x128xf32, #tpu.memory_space<vmem>>
    %dma_start3A_108 = tpu.memref_squeeze %dma_start3A_107 : memref<1x125x128xf32, #tpu.memory_space<vmem>> -> memref<125x128xf32, #tpu.memory_space<vmem>>
    %dma_start3A_109 = arith.constant 0 : i32
    %dma_start3A_110 = tpu.memref_slice %arg7[%dma_start3A_102, %dma_start3A_103, %dma_start3A_109] : memref<2x2x125xi32, #tpu.memory_space<vmem>> -> memref<1x1x125xi32, #tpu.memory_space<vmem>>
    %dma_start3A_111 = tpu.memref_squeeze %dma_start3A_110 : memref<1x1x125xi32, #tpu.memory_space<vmem>> -> memref<125xi32, #tpu.memory_space<vmem>>
    %dma_start3A_112 = arith.constant 0 : i32
    %dma_start3A_113 = arith.constant 0 : i32
    %dma_start3A_114 = tpu.memref_slice %arg3[%dma_start3A_112, %dma_start3A_113] : memref<10240x128xf32, #tpu.memory_space<hbm>> -> memref<10240x128xf32, #tpu.memory_space<hbm>>
    tpu.enqueue_indirect_dma source(%dma_start3A_114 : memref<10240x128xf32, #tpu.memory_space<hbm>>) target(%dma_start3A_108 : memref<125x128xf32, #tpu.memory_space<vmem>>) offsets(%dma_start3A_111 : memref<125xi32, #tpu.memory_space<vmem>>) semaphore(%arg9 : memref<!tpu.dma_semaphore, #tpu.memory_space<semaphore_mem>>)
    %scan3A = arith.constant 0 : i32
    %scan3A_115 = arith.constant 0 : i32
    %scan3A_116 = arith.constant 40 : i32
    %scan3A_117 = arith.addi %scan3A_115, %scan3A_116 : i32
    %scan3A_118 = arith.constant 1 : i32
    scf.for %scan3A_125 = %scan3A_115 to %scan3A_117 step %scan3A_118  : i32 {
      %mul3A_126 = arith.constant 2 : i32
      %mul3A_127 = arith.muli %mul3A_126, %scan3A_125 : i32
      %add3A_128 = arith.constant 0 : i32
      %add3A_129 = arith.addi %mul3A_127, %add3A_128 : i32
      %dma_wait3A_130 = arith.constant 0 : i32
      %dma_wait3A_131 = arith.constant 0 : i32
      %dma_wait3A_132 = arith.constant 0 : i32
      %dma_wait3A_133 = arith.constant 0 : i32
      %dma_wait3A_134 = arith.constant 0 : i32
      %dma_wait3A_135 = tpu.memref_slice %arg8[%dma_wait3A_132, %dma_wait3A_133, %dma_wait3A_134] : memref<2x125x128xf32, #tpu.memory_space<vmem>> -> memref<1x125x128xf32, #tpu.memory_space<vmem>>
      %dma_wait3A_136 = tpu.memref_squeeze %dma_wait3A_135 : memref<1x125x128xf32, #tpu.memory_space<vmem>> -> memref<125x128xf32, #tpu.memory_space<vmem>>
      %dma_wait3A_137 = arith.constant 0 : i32
      %dma_wait3A_138 = tpu.memref_slice %arg7[%dma_wait3A_130, %dma_wait3A_131, %dma_wait3A_137] : memref<2x2x125xi32, #tpu.memory_space<vmem>> -> memref<1x1x125xi32, #tpu.memory_space<vmem>>
      %dma_wait3A_139 = tpu.memref_squeeze %dma_wait3A_138 : memref<1x1x125xi32, #tpu.memory_space<vmem>> -> memref<125xi32, #tpu.memory_space<vmem>>
      %dma_wait3A_140 = arith.constant 0 : i32
      %dma_wait3A_141 = arith.constant 0 : i32
      %dma_wait3A_142 = tpu.memref_slice %arg3[%dma_wait3A_140, %dma_wait3A_141] : memref<10240x128xf32, #tpu.memory_space<hbm>> -> memref<10240x128xf32, #tpu.memory_space<hbm>>
      tpu.wait_indirect_dma semaphore(%arg9 : memref<!tpu.dma_semaphore, #tpu.memory_space<semaphore_mem>>) src(%dma_wait3A_142 : memref<10240x128xf32, #tpu.memory_space<hbm>>) dst(%dma_wait3A_136 : memref<125x128xf32, #tpu.memory_space<vmem>>)
      %add3A_143 = arith.constant 1 : i32
      %add3A_144 = arith.addi %add3A_129, %add3A_143 : i32
      %lt3A = arith.constant 80 : i32
      %lt3A_145 = arith.cmpi slt, %add3A_144, %lt3A : i32
      %convert_element_type3A_146 = arith.extui %lt3A_145 : i1 to i32
      %cond3A_147 = arith.constant 0 : i32
      %cond3A_148 = arith.cmpi ne, %convert_element_type3A_146, %cond3A_147 : i32
      scf.if %cond3A_148 {
        %dma_wait3A_192 = arith.constant 0 : i32
        %dma_wait3A_193 = arith.constant 0 : i32
        %dma_wait3A_194 = arith.constant 1 : i32
        %dma_wait3A_195 = arith.constant 0 : i32
        %dma_wait3A_196 = arith.constant 0 : i32
        %dma_wait3A_197 = tpu.memref_slice %arg7[%dma_wait3A_194, %dma_wait3A_195, %dma_wait3A_196] : memref<2x2x125xi32, #tpu.memory_space<vmem>> -> memref<1x1x125xi32, #tpu.memory_space<vmem>>
        %dma_wait3A_198 = tpu.memref_squeeze %dma_wait3A_197 : memref<1x1x125xi32, #tpu.memory_space<vmem>> -> memref<125xi32, #tpu.memory_space<vmem>>
        %dma_wait3A_199 = arith.constant 0 : i32
        %dma_wait3A_200 = tpu.memref_slice %arg2[%dma_wait3A_192, %add3A, %dma_wait3A_193, %dma_wait3A_199] : memref<2x32x80x125xi32, #tpu.memory_space<hbm>> -> memref<1x1x1x125xi32, #tpu.memory_space<hbm>>
        %dma_wait3A_201 = tpu.memref_squeeze %dma_wait3A_200 : memref<1x1x1x125xi32, #tpu.memory_space<hbm>> -> memref<125xi32, #tpu.memory_space<hbm>>
        %dma_wait3A_202 = arith.constant 0 : i32
        %dma_wait3A_203 = tpu.memref_slice %arg7[%dma_wait3A_194, %dma_wait3A_195, %dma_wait3A_202] : memref<2x2x125xi32, #tpu.memory_space<vmem>> -> memref<1x1x125xi32, #tpu.memory_space<vmem>>
        %dma_wait3A_204 = tpu.memref_squeeze %dma_wait3A_203 : memref<1x1x125xi32, #tpu.memory_space<vmem>> -> memref<125xi32, #tpu.memory_space<vmem>>
        %dma_wait3A_205 = arith.constant 0 : i32
        %dma_wait3A_206 = tpu.memref_slice %arg2[%dma_wait3A_192, %add3A, %dma_wait3A_193, %dma_wait3A_205] : memref<2x32x80x125xi32, #tpu.memory_space<hbm>> -> memref<1x1x1x125xi32, #tpu.memory_space<hbm>>
        %dma_wait3A_207 = tpu.memref_squeeze %dma_wait3A_206 : memref<1x1x1x125xi32, #tpu.memory_space<hbm>> -> memref<125xi32, #tpu.memory_space<hbm>>
        tpu.wait_dma2 semaphore(%arg10 : memref<!tpu.dma_semaphore, #tpu.memory_space<semaphore_mem>>) src(%dma_wait3A_207 : memref<125xi32, #tpu.memory_space<hbm>>) dst(%dma_wait3A_204 : memref<125xi32, #tpu.memory_space<vmem>>)
        %dma_wait3A_208 = arith.constant 0 : i32
        %dma_wait3A_209 = arith.constant 0 : i32
        %dma_wait3A_210 = arith.constant 1 : i32
        %dma_wait3A_211 = arith.constant 1 : i32
        %dma_wait3A_212 = arith.constant 0 : i32
        %dma_wait3A_213 = tpu.memref_slice %arg7[%dma_wait3A_210, %dma_wait3A_211, %dma_wait3A_212] : memref<2x2x125xi32, #tpu.memory_space<vmem>> -> memref<1x1x125xi32, #tpu.memory_space<vmem>>
        %dma_wait3A_214 = tpu.memref_squeeze %dma_wait3A_213 : memref<1x1x125xi32, #tpu.memory_space<vmem>> -> memref<125xi32, #tpu.memory_space<vmem>>
        %dma_wait3A_215 = arith.constant 0 : i32
        %dma_wait3A_216 = tpu.memref_slice %arg2[%dma_wait3A_208, %add3A, %dma_wait3A_209, %dma_wait3A_215] : memref<2x32x80x125xi32, #tpu.memory_space<hbm>> -> memref<1x1x1x125xi32, #tpu.memory_space<hbm>>
        %dma_wait3A_217 = tpu.memref_squeeze %dma_wait3A_216 : memref<1x1x1x125xi32, #tpu.memory_space<hbm>> -> memref<125xi32, #tpu.memory_space<hbm>>
        %dma_wait3A_218 = arith.constant 0 : i32
        %dma_wait3A_219 = tpu.memref_slice %arg7[%dma_wait3A_210, %dma_wait3A_211, %dma_wait3A_218] : memref<2x2x125xi32, #tpu.memory_space<vmem>> -> memref<1x1x125xi32, #tpu.memory_space<vmem>>
        %dma_wait3A_220 = tpu.memref_squeeze %dma_wait3A_219 : memref<1x1x125xi32, #tpu.memory_space<vmem>> -> memref<125xi32, #tpu.memory_space<vmem>>
        %dma_wait3A_221 = arith.constant 0 : i32
        %dma_wait3A_222 = tpu.memref_slice %arg2[%dma_wait3A_208, %add3A, %dma_wait3A_209, %dma_wait3A_221] : memref<2x32x80x125xi32, #tpu.memory_space<hbm>> -> memref<1x1x1x125xi32, #tpu.memory_space<hbm>>
        %dma_wait3A_223 = tpu.memref_squeeze %dma_wait3A_222 : memref<1x1x1x125xi32, #tpu.memory_space<hbm>> -> memref<125xi32, #tpu.memory_space<hbm>>
        tpu.wait_dma2 semaphore(%arg10 : memref<!tpu.dma_semaphore, #tpu.memory_space<semaphore_mem>>) src(%dma_wait3A_223 : memref<125xi32, #tpu.memory_space<hbm>>) dst(%dma_wait3A_220 : memref<125xi32, #tpu.memory_space<vmem>>)
        %dma_start3A_224 = arith.constant 1 : i32
        %dma_start3A_225 = arith.constant 0 : i32
        %dma_start3A_226 = arith.constant 1 : i32
        %dma_start3A_227 = arith.constant 0 : i32
        %dma_start3A_228 = arith.constant 0 : i32
        %dma_start3A_229 = tpu.memref_slice %arg8[%dma_start3A_226, %dma_start3A_227, %dma_start3A_228] : memref<2x125x128xf32, #tpu.memory_space<vmem>> -> memref<1x125x128xf32, #tpu.memory_space<vmem>>
        %dma_start3A_230 = tpu.memref_squeeze %dma_start3A_229 : memref<1x125x128xf32, #tpu.memory_space<vmem>> -> memref<125x128xf32, #tpu.memory_space<vmem>>
        %dma_start3A_231 = arith.constant 0 : i32
        %dma_start3A_232 = tpu.memref_slice %arg7[%dma_start3A_224, %dma_start3A_225, %dma_start3A_231] : memref<2x2x125xi32, #tpu.memory_space<vmem>> -> memref<1x1x125xi32, #tpu.memory_space<vmem>>
        %dma_start3A_233 = tpu.memref_squeeze %dma_start3A_232 : memref<1x1x125xi32, #tpu.memory_space<vmem>> -> memref<125xi32, #tpu.memory_space<vmem>>
        %dma_start3A_234 = arith.constant 0 : i32
        %dma_start3A_235 = arith.constant 0 : i32
        %dma_start3A_236 = tpu.memref_slice %arg3[%dma_start3A_234, %dma_start3A_235] : memref<10240x128xf32, #tpu.memory_space<hbm>> -> memref<10240x128xf32, #tpu.memory_space<hbm>>
        tpu.enqueue_indirect_dma source(%dma_start3A_236 : memref<10240x128xf32, #tpu.memory_space<hbm>>) target(%dma_start3A_230 : memref<125x128xf32, #tpu.memory_space<vmem>>) offsets(%dma_start3A_233 : memref<125xi32, #tpu.memory_space<vmem>>) semaphore(%arg9 : memref<!tpu.dma_semaphore, #tpu.memory_space<semaphore_mem>>)
      } else {
      }
      %run_scoped3A = arith.constant 0 : i32
      %run_scoped3A_149 = arith.constant 0 : i32
      %run_scoped3A_150 = arith.constant 1 : i32
      "tpu.region"() ({
        %run_scoped3A_192 = tpu.sem_alloc : memref<!tpu.dma_semaphore, #tpu.memory_space<semaphore_mem>>
        %dma_start3A_193 = arith.constant 0 : i32
        %dma_start3A_194 = arith.constant 0 : i32
        %dma_start3A_195 = tpu.memref_slice %arg8[%run_scoped3A, %dma_start3A_193, %dma_start3A_194] : memref<2x125x128xf32, #tpu.memory_space<vmem>> -> memref<1x125x128xf32, #tpu.memory_space<vmem>>
        %dma_start3A_196 = tpu.memref_squeeze %dma_start3A_195 : memref<1x125x128xf32, #tpu.memory_space<vmem>> -> memref<125x128xf32, #tpu.memory_space<vmem>>
        %dma_start3A_197 = arith.constant 0 : i32
        %dma_start3A_198 = tpu.memref_slice %arg7[%run_scoped3A_149, %run_scoped3A_150, %dma_start3A_197] : memref<2x2x125xi32, #tpu.memory_space<vmem>> -> memref<1x1x125xi32, #tpu.memory_space<vmem>>
        %dma_start3A_199 = tpu.memref_squeeze %dma_start3A_198 : memref<1x1x125xi32, #tpu.memory_space<vmem>> -> memref<125xi32, #tpu.memory_space<vmem>>
        %dma_start3A_200 = arith.constant 0 : i32
        %dma_start3A_201 = arith.constant 0 : i32
        %dma_start3A_202 = tpu.memref_slice %arg6[%dma_start3A_200, %dma_start3A_201] : memref<10240x128xf32, #tpu.memory_space<vmem_shared>> -> memref<10240x128xf32, #tpu.memory_space<vmem_shared>>
        tpu.enqueue_indirect_dma source(%dma_start3A_196 : memref<125x128xf32, #tpu.memory_space<vmem>>) target(%dma_start3A_202 : memref<10240x128xf32, #tpu.memory_space<vmem_shared>>) offsets(%dma_start3A_199 : memref<125xi32, #tpu.memory_space<vmem>>) semaphore(%run_scoped3A_192 : memref<!tpu.dma_semaphore, #tpu.memory_space<semaphore_mem>>) {add = true}
        %dma_wait3A_203 = arith.constant 0 : i32
        %dma_wait3A_204 = arith.constant 0 : i32
        %dma_wait3A_205 = tpu.memref_slice %arg8[%run_scoped3A, %dma_wait3A_203, %dma_wait3A_204] : memref<2x125x128xf32, #tpu.memory_space<vmem>> -> memref<1x125x128xf32, #tpu.memory_space<vmem>>
        %dma_wait3A_206 = tpu.memref_squeeze %dma_wait3A_205 : memref<1x125x128xf32, #tpu.memory_space<vmem>> -> memref<125x128xf32, #tpu.memory_space<vmem>>
        %dma_wait3A_207 = arith.constant 0 : i32
        %dma_wait3A_208 = tpu.memref_slice %arg7[%run_scoped3A_149, %run_scoped3A_150, %dma_wait3A_207] : memref<2x2x125xi32, #tpu.memory_space<vmem>> -> memref<1x1x125xi32, #tpu.memory_space<vmem>>
        %dma_wait3A_209 = tpu.memref_squeeze %dma_wait3A_208 : memref<1x1x125xi32, #tpu.memory_space<vmem>> -> memref<125xi32, #tpu.memory_space<vmem>>
        %dma_wait3A_210 = arith.constant 0 : i32
        %dma_wait3A_211 = arith.constant 0 : i32
        %dma_wait3A_212 = tpu.memref_slice %arg6[%dma_wait3A_210, %dma_wait3A_211] : memref<10240x128xf32, #tpu.memory_space<vmem_shared>> -> memref<10240x128xf32, #tpu.memory_space<vmem_shared>>
        tpu.wait_indirect_dma semaphore(%run_scoped3A_192 : memref<!tpu.dma_semaphore, #tpu.memory_space<semaphore_mem>>) src(%dma_wait3A_206 : memref<125x128xf32, #tpu.memory_space<vmem>>) dst(%dma_wait3A_212 : memref<10240x128xf32, #tpu.memory_space<vmem_shared>>)
        tpu.yield
      }) : () -> ()
      %add3A_151 = arith.constant 2 : i32
      %add3A_152 = arith.addi %add3A_129, %add3A_151 : i32
      %lt3A_153 = arith.constant 80 : i32
      %lt3A_154 = arith.cmpi slt, %add3A_152, %lt3A_153 : i32
      %convert_element_type3A_155 = arith.extui %lt3A_154 : i1 to i32
      %cond3A_156 = arith.constant 0 : i32
      %cond3A_157 = arith.cmpi ne, %convert_element_type3A_155, %cond3A_156 : i32
      scf.if %cond3A_157 {
        %add3A_192 = arith.constant 2 : i32
        %add3A_193 = arith.addi %add3A_129, %add3A_192 : i32
        %dma_start3A_194 = arith.constant 0 : i32
        %dma_start3A_195 = arith.constant 0 : i32
        %dma_start3A_196 = arith.constant 0 : i32
        %dma_start3A_197 = arith.constant 0 : i32
        %dma_start3A_198 = tpu.memref_slice %arg7[%dma_start3A_195, %dma_start3A_196, %dma_start3A_197] : memref<2x2x125xi32, #tpu.memory_space<vmem>> -> memref<1x1x125xi32, #tpu.memory_space<vmem>>
        %dma_start3A_199 = tpu.memref_squeeze %dma_start3A_198 : memref<1x1x125xi32, #tpu.memory_space<vmem>> -> memref<125xi32, #tpu.memory_space<vmem>>
        %dma_start3A_200 = arith.constant 0 : i32
        %dma_start3A_201 = tpu.memref_slice %arg2[%dma_start3A_194, %add3A, %add3A_193, %dma_start3A_200] : memref<2x32x80x125xi32, #tpu.memory_space<hbm>> -> memref<1x1x1x125xi32, #tpu.memory_space<hbm>>
        %dma_start3A_202 = tpu.memref_squeeze %dma_start3A_201 : memref<1x1x1x125xi32, #tpu.memory_space<hbm>> -> memref<125xi32, #tpu.memory_space<hbm>>
        %dma_start3A_203 = arith.constant 0 : i32
        %dma_start3A_204 = tpu.memref_slice %arg7[%dma_start3A_195, %dma_start3A_196, %dma_start3A_203] : memref<2x2x125xi32, #tpu.memory_space<vmem>> -> memref<1x1x125xi32, #tpu.memory_space<vmem>>
        %dma_start3A_205 = tpu.memref_squeeze %dma_start3A_204 : memref<1x1x125xi32, #tpu.memory_space<vmem>> -> memref<125xi32, #tpu.memory_space<vmem>>
        %dma_start3A_206 = arith.constant 0 : i32
        %dma_start3A_207 = tpu.memref_slice %arg2[%dma_start3A_194, %add3A, %add3A_193, %dma_start3A_206] : memref<2x32x80x125xi32, #tpu.memory_space<hbm>> -> memref<1x1x1x125xi32, #tpu.memory_space<hbm>>
        %dma_start3A_208 = tpu.memref_squeeze %dma_start3A_207 : memref<1x1x1x125xi32, #tpu.memory_space<hbm>> -> memref<125xi32, #tpu.memory_space<hbm>>
        tpu.enqueue_dma source(%dma_start3A_208 : memref<125xi32, #tpu.memory_space<hbm>>) target(%dma_start3A_205 : memref<125xi32, #tpu.memory_space<vmem>>) target_semaphore(%arg10 : memref<!tpu.dma_semaphore, #tpu.memory_space<semaphore_mem>>)
        %dma_start3A_209 = arith.constant 1 : i32
        %dma_start3A_210 = arith.constant 0 : i32
        %dma_start3A_211 = arith.constant 1 : i32
        %dma_start3A_212 = arith.constant 0 : i32
        %dma_start3A_213 = tpu.memref_slice %arg7[%dma_start3A_210, %dma_start3A_211, %dma_start3A_212] : memref<2x2x125xi32, #tpu.memory_space<vmem>> -> memref<1x1x125xi32, #tpu.memory_space<vmem>>
        %dma_start3A_214 = tpu.memref_squeeze %dma_start3A_213 : memref<1x1x125xi32, #tpu.memory_space<vmem>> -> memref<125xi32, #tpu.memory_space<vmem>>
        %dma_start3A_215 = arith.constant 0 : i32
        %dma_start3A_216 = tpu.memref_slice %arg2[%dma_start3A_209, %add3A, %add3A_193, %dma_start3A_215] : memref<2x32x80x125xi32, #tpu.memory_space<hbm>> -> memref<1x1x1x125xi32, #tpu.memory_space<hbm>>
        %dma_start3A_217 = tpu.memref_squeeze %dma_start3A_216 : memref<1x1x1x125xi32, #tpu.memory_space<hbm>> -> memref<125xi32, #tpu.memory_space<hbm>>
        %dma_start3A_218 = arith.constant 0 : i32
        %dma_start3A_219 = tpu.memref_slice %arg7[%dma_start3A_210, %dma_start3A_211, %dma_start3A_218] : memref<2x2x125xi32, #tpu.memory_space<vmem>> -> memref<1x1x125xi32, #tpu.memory_space<vmem>>
        %dma_start3A_220 = tpu.memref_squeeze %dma_start3A_219 : memref<1x1x125xi32, #tpu.memory_space<vmem>> -> memref<125xi32, #tpu.memory_space<vmem>>
        %dma_start3A_221 = arith.constant 0 : i32
        %dma_start3A_222 = tpu.memref_slice %arg2[%dma_start3A_209, %add3A, %add3A_193, %dma_start3A_221] : memref<2x32x80x125xi32, #tpu.memory_space<hbm>> -> memref<1x1x1x125xi32, #tpu.memory_space<hbm>>
        %dma_start3A_223 = tpu.memref_squeeze %dma_start3A_222 : memref<1x1x1x125xi32, #tpu.memory_space<hbm>> -> memref<125xi32, #tpu.memory_space<hbm>>
        tpu.enqueue_dma source(%dma_start3A_223 : memref<125xi32, #tpu.memory_space<hbm>>) target(%dma_start3A_220 : memref<125xi32, #tpu.memory_space<vmem>>) target_semaphore(%arg10 : memref<!tpu.dma_semaphore, #tpu.memory_space<semaphore_mem>>)
      } else {
      }
      %mul3A_158 = arith.constant 2 : i32
      %mul3A_159 = arith.muli %mul3A_158, %scan3A_125 : i32
      %add3A_160 = arith.constant 1 : i32
      %add3A_161 = arith.addi %mul3A_159, %add3A_160 : i32
      %dma_wait3A_162 = arith.constant 1 : i32
      %dma_wait3A_163 = arith.constant 0 : i32
      %dma_wait3A_164 = arith.constant 1 : i32
      %dma_wait3A_165 = arith.constant 0 : i32
      %dma_wait3A_166 = arith.constant 0 : i32
      %dma_wait3A_167 = tpu.memref_slice %arg8[%dma_wait3A_164, %dma_wait3A_165, %dma_wait3A_166] : memref<2x125x128xf32, #tpu.memory_space<vmem>> -> memref<1x125x128xf32, #tpu.memory_space<vmem>>
      %dma_wait3A_168 = tpu.memref_squeeze %dma_wait3A_167 : memref<1x125x128xf32, #tpu.memory_space<vmem>> -> memref<125x128xf32, #tpu.memory_space<vmem>>
      %dma_wait3A_169 = arith.constant 0 : i32
      %dma_wait3A_170 = tpu.memref_slice %arg7[%dma_wait3A_162, %dma_wait3A_163, %dma_wait3A_169] : memref<2x2x125xi32, #tpu.memory_space<vmem>> -> memref<1x1x125xi32, #tpu.memory_space<vmem>>
      %dma_wait3A_171 = tpu.memref_squeeze %dma_wait3A_170 : memref<1x1x125xi32, #tpu.memory_space<vmem>> -> memref<125xi32, #tpu.memory_space<vmem>>
      %dma_wait3A_172 = arith.constant 0 : i32
      %dma_wait3A_173 = arith.constant 0 : i32
      %dma_wait3A_174 = tpu.memref_slice %arg3[%dma_wait3A_172, %dma_wait3A_173] : memref<10240x128xf32, #tpu.memory_space<hbm>> -> memref<10240x128xf32, #tpu.memory_space<hbm>>
      tpu.wait_indirect_dma semaphore(%arg9 : memref<!tpu.dma_semaphore, #tpu.memory_space<semaphore_mem>>) src(%dma_wait3A_174 : memref<10240x128xf32, #tpu.memory_space<hbm>>) dst(%dma_wait3A_168 : memref<125x128xf32, #tpu.memory_space<vmem>>)
      %add3A_175 = arith.constant 1 : i32
      %add3A_176 = arith.addi %add3A_161, %add3A_175 : i32
      %lt3A_177 = arith.constant 80 : i32
      %lt3A_178 = arith.cmpi slt, %add3A_176, %lt3A_177 : i32
      %convert_element_type3A_179 = arith.extui %lt3A_178 : i1 to i32
      %cond3A_180 = arith.constant 0 : i32
      %cond3A_181 = arith.cmpi ne, %convert_element_type3A_179, %cond3A_180 : i32
      scf.if %cond3A_181 {
        %dma_wait3A_192 = arith.constant 0 : i32
        %dma_wait3A_193 = arith.constant 0 : i32
        %dma_wait3A_194 = arith.constant 0 : i32
        %dma_wait3A_195 = arith.constant 0 : i32
        %dma_wait3A_196 = arith.constant 0 : i32
        %dma_wait3A_197 = tpu.memref_slice %arg7[%dma_wait3A_194, %dma_wait3A_195, %dma_wait3A_196] : memref<2x2x125xi32, #tpu.memory_space<vmem>> -> memref<1x1x125xi32, #tpu.memory_space<vmem>>
        %dma_wait3A_198 = tpu.memref_squeeze %dma_wait3A_197 : memref<1x1x125xi32, #tpu.memory_space<vmem>> -> memref<125xi32, #tpu.memory_space<vmem>>
        %dma_wait3A_199 = arith.constant 0 : i32
        %dma_wait3A_200 = tpu.memref_slice %arg2[%dma_wait3A_192, %add3A, %dma_wait3A_193, %dma_wait3A_199] : memref<2x32x80x125xi32, #tpu.memory_space<hbm>> -> memref<1x1x1x125xi32, #tpu.memory_space<hbm>>
        %dma_wait3A_201 = tpu.memref_squeeze %dma_wait3A_200 : memref<1x1x1x125xi32, #tpu.memory_space<hbm>> -> memref<125xi32, #tpu.memory_space<hbm>>
        %dma_wait3A_202 = arith.constant 0 : i32
        %dma_wait3A_203 = tpu.memref_slice %arg7[%dma_wait3A_194, %dma_wait3A_195, %dma_wait3A_202] : memref<2x2x125xi32, #tpu.memory_space<vmem>> -> memref<1x1x125xi32, #tpu.memory_space<vmem>>
        %dma_wait3A_204 = tpu.memref_squeeze %dma_wait3A_203 : memref<1x1x125xi32, #tpu.memory_space<vmem>> -> memref<125xi32, #tpu.memory_space<vmem>>
        %dma_wait3A_205 = arith.constant 0 : i32
        %dma_wait3A_206 = tpu.memref_slice %arg2[%dma_wait3A_192, %add3A, %dma_wait3A_193, %dma_wait3A_205] : memref<2x32x80x125xi32, #tpu.memory_space<hbm>> -> memref<1x1x1x125xi32, #tpu.memory_space<hbm>>
        %dma_wait3A_207 = tpu.memref_squeeze %dma_wait3A_206 : memref<1x1x1x125xi32, #tpu.memory_space<hbm>> -> memref<125xi32, #tpu.memory_space<hbm>>
        tpu.wait_dma2 semaphore(%arg10 : memref<!tpu.dma_semaphore, #tpu.memory_space<semaphore_mem>>) src(%dma_wait3A_207 : memref<125xi32, #tpu.memory_space<hbm>>) dst(%dma_wait3A_204 : memref<125xi32, #tpu.memory_space<vmem>>)
        %dma_wait3A_208 = arith.constant 0 : i32
        %dma_wait3A_209 = arith.constant 0 : i32
        %dma_wait3A_210 = arith.constant 0 : i32
        %dma_wait3A_211 = arith.constant 1 : i32
        %dma_wait3A_212 = arith.constant 0 : i32
        %dma_wait3A_213 = tpu.memref_slice %arg7[%dma_wait3A_210, %dma_wait3A_211, %dma_wait3A_212] : memref<2x2x125xi32, #tpu.memory_space<vmem>> -> memref<1x1x125xi32, #tpu.memory_space<vmem>>
        %dma_wait3A_214 = tpu.memref_squeeze %dma_wait3A_213 : memref<1x1x125xi32, #tpu.memory_space<vmem>> -> memref<125xi32, #tpu.memory_space<vmem>>
        %dma_wait3A_215 = arith.constant 0 : i32
        %dma_wait3A_216 = tpu.memref_slice %arg2[%dma_wait3A_208, %add3A, %dma_wait3A_209, %dma_wait3A_215] : memref<2x32x80x125xi32, #tpu.memory_space<hbm>> -> memref<1x1x1x125xi32, #tpu.memory_space<hbm>>
        %dma_wait3A_217 = tpu.memref_squeeze %dma_wait3A_216 : memref<1x1x1x125xi32, #tpu.memory_space<hbm>> -> memref<125xi32, #tpu.memory_space<hbm>>
        %dma_wait3A_218 = arith.constant 0 : i32
        %dma_wait3A_219 = tpu.memref_slice %arg7[%dma_wait3A_210, %dma_wait3A_211, %dma_wait3A_218] : memref<2x2x125xi32, #tpu.memory_space<vmem>> -> memref<1x1x125xi32, #tpu.memory_space<vmem>>
        %dma_wait3A_220 = tpu.memref_squeeze %dma_wait3A_219 : memref<1x1x125xi32, #tpu.memory_space<vmem>> -> memref<125xi32, #tpu.memory_space<vmem>>
        %dma_wait3A_221 = arith.constant 0 : i32
        %dma_wait3A_222 = tpu.memref_slice %arg2[%dma_wait3A_208, %add3A, %dma_wait3A_209, %dma_wait3A_221] : memref<2x32x80x125xi32, #tpu.memory_space<hbm>> -> memref<1x1x1x125xi32, #tpu.memory_space<hbm>>
        %dma_wait3A_223 = tpu.memref_squeeze %dma_wait3A_222 : memref<1x1x1x125xi32, #tpu.memory_space<hbm>> -> memref<125xi32, #tpu.memory_space<hbm>>
        tpu.wait_dma2 semaphore(%arg10 : memref<!tpu.dma_semaphore, #tpu.memory_space<semaphore_mem>>) src(%dma_wait3A_223 : memref<125xi32, #tpu.memory_space<hbm>>) dst(%dma_wait3A_220 : memref<125xi32, #tpu.memory_space<vmem>>)
        %dma_start3A_224 = arith.constant 0 : i32
        %dma_start3A_225 = arith.constant 0 : i32
        %dma_start3A_226 = arith.constant 0 : i32
        %dma_start3A_227 = arith.constant 0 : i32
        %dma_start3A_228 = arith.constant 0 : i32
        %dma_start3A_229 = tpu.memref_slice %arg8[%dma_start3A_226, %dma_start3A_227, %dma_start3A_228] : memref<2x125x128xf32, #tpu.memory_space<vmem>> -> memref<1x125x128xf32, #tpu.memory_space<vmem>>
        %dma_start3A_230 = tpu.memref_squeeze %dma_start3A_229 : memref<1x125x128xf32, #tpu.memory_space<vmem>> -> memref<125x128xf32, #tpu.memory_space<vmem>>
        %dma_start3A_231 = arith.constant 0 : i32
        %dma_start3A_232 = tpu.memref_slice %arg7[%dma_start3A_224, %dma_start3A_225, %dma_start3A_231] : memref<2x2x125xi32, #tpu.memory_space<vmem>> -> memref<1x1x125xi32, #tpu.memory_space<vmem>>
        %dma_start3A_233 = tpu.memref_squeeze %dma_start3A_232 : memref<1x1x125xi32, #tpu.memory_space<vmem>> -> memref<125xi32, #tpu.memory_space<vmem>>
        %dma_start3A_234 = arith.constant 0 : i32
        %dma_start3A_235 = arith.constant 0 : i32
        %dma_start3A_236 = tpu.memref_slice %arg3[%dma_start3A_234, %dma_start3A_235] : memref<10240x128xf32, #tpu.memory_space<hbm>> -> memref<10240x128xf32, #tpu.memory_space<hbm>>
        tpu.enqueue_indirect_dma source(%dma_start3A_236 : memref<10240x128xf32, #tpu.memory_space<hbm>>) target(%dma_start3A_230 : memref<125x128xf32, #tpu.memory_space<vmem>>) offsets(%dma_start3A_233 : memref<125xi32, #tpu.memory_space<vmem>>) semaphore(%arg9 : memref<!tpu.dma_semaphore, #tpu.memory_space<semaphore_mem>>)
      } else {
      }
      %run_scoped3A_182 = arith.constant 1 : i32
      %run_scoped3A_183 = arith.constant 1 : i32
      %run_scoped3A_184 = arith.constant 1 : i32
      "tpu.region"() ({
        %run_scoped3A_192 = tpu.sem_alloc : memref<!tpu.dma_semaphore, #tpu.memory_space<semaphore_mem>>
        %dma_start3A_193 = arith.constant 0 : i32
        %dma_start3A_194 = arith.constant 0 : i32
        %dma_start3A_195 = tpu.memref_slice %arg8[%run_scoped3A_182, %dma_start3A_193, %dma_start3A_194] : memref<2x125x128xf32, #tpu.memory_space<vmem>> -> memref<1x125x128xf32, #tpu.memory_space<vmem>>
        %dma_start3A_196 = tpu.memref_squeeze %dma_start3A_195 : memref<1x125x128xf32, #tpu.memory_space<vmem>> -> memref<125x128xf32, #tpu.memory_space<vmem>>
        %dma_start3A_197 = arith.constant 0 : i32
        %dma_start3A_198 = tpu.memref_slice %arg7[%run_scoped3A_183, %run_scoped3A_184, %dma_start3A_197] : memref<2x2x125xi32, #tpu.memory_space<vmem>> -> memref<1x1x125xi32, #tpu.memory_space<vmem>>
        %dma_start3A_199 = tpu.memref_squeeze %dma_start3A_198 : memref<1x1x125xi32, #tpu.memory_space<vmem>> -> memref<125xi32, #tpu.memory_space<vmem>>
        %dma_start3A_200 = arith.constant 0 : i32
        %dma_start3A_201 = arith.constant 0 : i32
        %dma_start3A_202 = tpu.memref_slice %arg6[%dma_start3A_200, %dma_start3A_201] : memref<10240x128xf32, #tpu.memory_space<vmem_shared>> -> memref<10240x128xf32, #tpu.memory_space<vmem_shared>>
        tpu.enqueue_indirect_dma source(%dma_start3A_196 : memref<125x128xf32, #tpu.memory_space<vmem>>) target(%dma_start3A_202 : memref<10240x128xf32, #tpu.memory_space<vmem_shared>>) offsets(%dma_start3A_199 : memref<125xi32, #tpu.memory_space<vmem>>) semaphore(%run_scoped3A_192 : memref<!tpu.dma_semaphore, #tpu.memory_space<semaphore_mem>>) {add = true}
        %dma_wait3A_203 = arith.constant 0 : i32
        %dma_wait3A_204 = arith.constant 0 : i32
        %dma_wait3A_205 = tpu.memref_slice %arg8[%run_scoped3A_182, %dma_wait3A_203, %dma_wait3A_204] : memref<2x125x128xf32, #tpu.memory_space<vmem>> -> memref<1x125x128xf32, #tpu.memory_space<vmem>>
        %dma_wait3A_206 = tpu.memref_squeeze %dma_wait3A_205 : memref<1x125x128xf32, #tpu.memory_space<vmem>> -> memref<125x128xf32, #tpu.memory_space<vmem>>
        %dma_wait3A_207 = arith.constant 0 : i32
        %dma_wait3A_208 = tpu.memref_slice %arg7[%run_scoped3A_183, %run_scoped3A_184, %dma_wait3A_207] : memref<2x2x125xi32, #tpu.memory_space<vmem>> -> memref<1x1x125xi32, #tpu.memory_space<vmem>>
        %dma_wait3A_209 = tpu.memref_squeeze %dma_wait3A_208 : memref<1x1x125xi32, #tpu.memory_space<vmem>> -> memref<125xi32, #tpu.memory_space<vmem>>
        %dma_wait3A_210 = arith.constant 0 : i32
        %dma_wait3A_211 = arith.constant 0 : i32
        %dma_wait3A_212 = tpu.memref_slice %arg6[%dma_wait3A_210, %dma_wait3A_211] : memref<10240x128xf32, #tpu.memory_space<vmem_shared>> -> memref<10240x128xf32, #tpu.memory_space<vmem_shared>>
        tpu.wait_indirect_dma semaphore(%run_scoped3A_192 : memref<!tpu.dma_semaphore, #tpu.memory_space<semaphore_mem>>) src(%dma_wait3A_206 : memref<125x128xf32, #tpu.memory_space<vmem>>) dst(%dma_wait3A_212 : memref<10240x128xf32, #tpu.memory_space<vmem_shared>>)
        tpu.yield
      }) : () -> ()
      %add3A_185 = arith.constant 2 : i32
      %add3A_186 = arith.addi %add3A_161, %add3A_185 : i32
      %lt3A_187 = arith.constant 80 : i32
      %lt3A_188 = arith.cmpi slt, %add3A_186, %lt3A_187 : i32
      %convert_element_type3A_189 = arith.extui %lt3A_188 : i1 to i32
      %cond3A_190 = arith.constant 0 : i32
      %cond3A_191 = arith.cmpi ne, %convert_element_type3A_189, %cond3A_190 : i32
      scf.if %cond3A_191 {
        %add3A_192 = arith.constant 2 : i32
        %add3A_193 = arith.addi %add3A_161, %add3A_192 : i32
        %dma_start3A_194 = arith.constant 0 : i32
        %dma_start3A_195 = arith.constant 1 : i32
        %dma_start3A_196 = arith.constant 0 : i32
        %dma_start3A_197 = arith.constant 0 : i32
        %dma_start3A_198 = tpu.memref_slice %arg7[%dma_start3A_195, %dma_start3A_196, %dma_start3A_197] : memref<2x2x125xi32, #tpu.memory_space<vmem>> -> memref<1x1x125xi32, #tpu.memory_space<vmem>>
        %dma_start3A_199 = tpu.memref_squeeze %dma_start3A_198 : memref<1x1x125xi32, #tpu.memory_space<vmem>> -> memref<125xi32, #tpu.memory_space<vmem>>
        %dma_start3A_200 = arith.constant 0 : i32
        %dma_start3A_201 = tpu.memref_slice %arg2[%dma_start3A_194, %add3A, %add3A_193, %dma_start3A_200] : memref<2x32x80x125xi32, #tpu.memory_space<hbm>> -> memref<1x1x1x125xi32, #tpu.memory_space<hbm>>
        %dma_start3A_202 = tpu.memref_squeeze %dma_start3A_201 : memref<1x1x1x125xi32, #tpu.memory_space<hbm>> -> memref<125xi32, #tpu.memory_space<hbm>>
        %dma_start3A_203 = arith.constant 0 : i32
        %dma_start3A_204 = tpu.memref_slice %arg7[%dma_start3A_195, %dma_start3A_196, %dma_start3A_203] : memref<2x2x125xi32, #tpu.memory_space<vmem>> -> memref<1x1x125xi32, #tpu.memory_space<vmem>>
        %dma_start3A_205 = tpu.memref_squeeze %dma_start3A_204 : memref<1x1x125xi32, #tpu.memory_space<vmem>> -> memref<125xi32, #tpu.memory_space<vmem>>
        %dma_start3A_206 = arith.constant 0 : i32
        %dma_start3A_207 = tpu.memref_slice %arg2[%dma_start3A_194, %add3A, %add3A_193, %dma_start3A_206] : memref<2x32x80x125xi32, #tpu.memory_space<hbm>> -> memref<1x1x1x125xi32, #tpu.memory_space<hbm>>
        %dma_start3A_208 = tpu.memref_squeeze %dma_start3A_207 : memref<1x1x1x125xi32, #tpu.memory_space<hbm>> -> memref<125xi32, #tpu.memory_space<hbm>>
        tpu.enqueue_dma source(%dma_start3A_208 : memref<125xi32, #tpu.memory_space<hbm>>) target(%dma_start3A_205 : memref<125xi32, #tpu.memory_space<vmem>>) target_semaphore(%arg10 : memref<!tpu.dma_semaphore, #tpu.memory_space<semaphore_mem>>)
        %dma_start3A_209 = arith.constant 1 : i32
        %dma_start3A_210 = arith.constant 1 : i32
        %dma_start3A_211 = arith.constant 1 : i32
        %dma_start3A_212 = arith.constant 0 : i32
        %dma_start3A_213 = tpu.memref_slice %arg7[%dma_start3A_210, %dma_start3A_211, %dma_start3A_212] : memref<2x2x125xi32, #tpu.memory_space<vmem>> -> memref<1x1x125xi32, #tpu.memory_space<vmem>>
        %dma_start3A_214 = tpu.memref_squeeze %dma_start3A_213 : memref<1x1x125xi32, #tpu.memory_space<vmem>> -> memref<125xi32, #tpu.memory_space<vmem>>
        %dma_start3A_215 = arith.constant 0 : i32
        %dma_start3A_216 = tpu.memref_slice %arg2[%dma_start3A_209, %add3A, %add3A_193, %dma_start3A_215] : memref<2x32x80x125xi32, #tpu.memory_space<hbm>> -> memref<1x1x1x125xi32, #tpu.memory_space<hbm>>
        %dma_start3A_217 = tpu.memref_squeeze %dma_start3A_216 : memref<1x1x1x125xi32, #tpu.memory_space<hbm>> -> memref<125xi32, #tpu.memory_space<hbm>>
        %dma_start3A_218 = arith.constant 0 : i32
        %dma_start3A_219 = tpu.memref_slice %arg7[%dma_start3A_210, %dma_start3A_211, %dma_start3A_218] : memref<2x2x125xi32, #tpu.memory_space<vmem>> -> memref<1x1x125xi32, #tpu.memory_space<vmem>>
        %dma_start3A_220 = tpu.memref_squeeze %dma_start3A_219 : memref<1x1x125xi32, #tpu.memory_space<vmem>> -> memref<125xi32, #tpu.memory_space<vmem>>
        %dma_start3A_221 = arith.constant 0 : i32
        %dma_start3A_222 = tpu.memref_slice %arg2[%dma_start3A_209, %add3A, %add3A_193, %dma_start3A_221] : memref<2x32x80x125xi32, #tpu.memory_space<hbm>> -> memref<1x1x1x125xi32, #tpu.memory_space<hbm>>
        %dma_start3A_223 = tpu.memref_squeeze %dma_start3A_222 : memref<1x1x1x125xi32, #tpu.memory_space<hbm>> -> memref<125xi32, #tpu.memory_space<hbm>>
        tpu.enqueue_dma source(%dma_start3A_223 : memref<125xi32, #tpu.memory_space<hbm>>) target(%dma_start3A_220 : memref<125xi32, #tpu.memory_space<vmem>>) target_semaphore(%arg10 : memref<!tpu.dma_semaphore, #tpu.memory_space<semaphore_mem>>)
      } else {
      }
    }
    %scan3A_119 = arith.constant 40 : i32
    %barrier3A_120 = arith.constant 0 : index
    tpu.barrier barrier_id(%barrier3A_120)
    %mul3A_121 = arith.constant 640 : i32
    %mul3A_122 = arith.muli %arg1, %mul3A_121 : i32
    %mul3A_123 = arith.constant 640 : i32
    %mul3A_124 = arith.muli %arg1, %mul3A_123 : i32
    "tpu.region"() ({
      %run_scoped3A = tpu.sem_alloc : memref<!tpu.dma_semaphore, #tpu.memory_space<semaphore_mem>>
      %dma_start3A_125 = arith.constant 0 : i32
      %dma_start3A_126 = tpu.memref_slice %arg5[%arg0, %mul3A_124, %dma_start3A_125] : memref<2x10240x128xf32, #tpu.memory_space<hbm>> -> memref<1x640x128xf32, #tpu.memory_space<hbm>>
      %dma_start3A_127 = tpu.memref_squeeze %dma_start3A_126 : memref<1x640x128xf32, #tpu.memory_space<hbm>> -> memref<640x128xf32, #tpu.memory_space<hbm>>
      %dma_start3A_128 = arith.constant 0 : i32
      %dma_start3A_129 = tpu.memref_slice %arg6[%mul3A_122, %dma_start3A_128] : memref<10240x128xf32, #tpu.memory_space<vmem_shared>> -> memref<640x128xf32, #tpu.memory_space<vmem_shared>>
      tpu.enqueue_dma source(%dma_start3A_129 : memref<640x128xf32, #tpu.memory_space<vmem_shared>>) target(%dma_start3A_127 : memref<640x128xf32, #tpu.memory_space<hbm>>) target_semaphore(%run_scoped3A : memref<!tpu.dma_semaphore, #tpu.memory_space<semaphore_mem>>)
      %dma_wait3A_130 = arith.constant 0 : i32
      %dma_wait3A_131 = tpu.memref_slice %arg5[%arg0, %mul3A_124, %dma_wait3A_130] : memref<2x10240x128xf32, #tpu.memory_space<hbm>> -> memref<1x640x128xf32, #tpu.memory_space<hbm>>
      %dma_wait3A_132 = tpu.memref_squeeze %dma_wait3A_131 : memref<1x640x128xf32, #tpu.memory_space<hbm>> -> memref<640x128xf32, #tpu.memory_space<hbm>>
      %dma_wait3A_133 = arith.constant 0 : i32
      %dma_wait3A_134 = tpu.memref_slice %arg6[%mul3A_122, %dma_wait3A_133] : memref<10240x128xf32, #tpu.memory_space<vmem_shared>> -> memref<640x128xf32, #tpu.memory_space<vmem_shared>>
      tpu.wait_dma2 semaphore(%run_scoped3A : memref<!tpu.dma_semaphore, #tpu.memory_space<semaphore_mem>>) src(%dma_wait3A_134 : memref<640x128xf32, #tpu.memory_space<vmem_shared>>) dst(%dma_wait3A_132 : memref<640x128xf32, #tpu.memory_space<hbm>>)
      tpu.yield
    }) : () -> ()
    return
  }
}

#map = affine_map<(d0, d1) -> (0, 0, 0, 0)>
#map1 = affine_map<(d0, d1) -> (0)>
module attributes {stable_mosaic.version = 14 : i64} {
  func.func @_deg_body(%arg0: i32, %arg1: i32, %arg2: memref<2x32x80x125xi32, #tpu.memory_space<hbm>>, %arg3: memref<640xf32, #tpu.memory_space<hbm>>, %arg4: memref<20480xf32, #tpu.memory_space<hbm>>, %arg5: memref<10240xf32, #tpu.memory_space<vmem_shared>>, %arg6: memref<128xf32, #tpu.memory_space<vmem>>, %arg7: memref<80x125xi32, #tpu.memory_space<vmem>>) attributes {dimension_semantics = [#tpu.dimension_semantics<core_parallel>, #tpu.dimension_semantics<subcore_parallel>], iteration_bounds = array<i64: 2, 16>, scalar_prefetch = 0 : i64, scratch_operands = 3 : i64, tpu.core_type = #tpu.core_type<sc_vector_subcore>, window_params = [{transform_indices = #map}, {transform_indices = #map1}, {transform_indices = #map1}]} {
    %mul3A = arith.constant 16 : i32
    %mul3A_0 = arith.muli %arg0, %mul3A : i32
    %add3A = arith.addi %mul3A_0, %arg1 : i32
    %mul3A_1 = arith.constant 640 : i32
    %mul3A_2 = arith.muli %arg1, %mul3A_1 : i32
    "tpu.region"() ({
      %run_scoped3A_48 = tpu.sem_alloc : memref<!tpu.dma_semaphore, #tpu.memory_space<semaphore_mem>>
      %dma_start3A = tpu.memref_slice %arg5[%mul3A_2] : memref<10240xf32, #tpu.memory_space<vmem_shared>> -> memref<640xf32, #tpu.memory_space<vmem_shared>>
      tpu.enqueue_dma source(%arg3 : memref<640xf32, #tpu.memory_space<hbm>>) target(%dma_start3A : memref<640xf32, #tpu.memory_space<vmem_shared>>) target_semaphore(%run_scoped3A_48 : memref<!tpu.dma_semaphore, #tpu.memory_space<semaphore_mem>>)
      %dma_wait3A = tpu.memref_slice %arg5[%mul3A_2] : memref<10240xf32, #tpu.memory_space<vmem_shared>> -> memref<640xf32, #tpu.memory_space<vmem_shared>>
      tpu.wait_dma2 semaphore(%run_scoped3A_48 : memref<!tpu.dma_semaphore, #tpu.memory_space<semaphore_mem>>) src(%arg3 : memref<640xf32, #tpu.memory_space<hbm>>) dst(%dma_wait3A : memref<640xf32, #tpu.memory_space<vmem_shared>>)
      tpu.yield
    }) : () -> ()
    %broadcast_in_dim3A = arith.constant 1.000000e+00 : f32
    %broadcast_in_dim3A_3 = vector.broadcast %broadcast_in_dim3A : f32 to vector<16xf32>
    %swap3A = arith.constant 0 : index
    %swap3A_4 = tpu.vector_load %arg6[%swap3A] {strides = array<i32>} : memref<128xf32, #tpu.memory_space<vmem>>, vector<16xf32>,
    %swap3A_5 = vector.shape_cast %swap3A_4 : vector<16xf32> to vector<16xf32>
    %swap3A_6 = vector.shape_cast %broadcast_in_dim3A_3 : vector<16xf32> to vector<16xf32>
    tpu.vector_store %arg6[%swap3A], %swap3A_6 {strides = array<i32>} : memref<128xf32, #tpu.memory_space<vmem>>, vector<16xf32>,
    %swap3A_7 = arith.constant 16 : index
    %swap3A_8 = tpu.vector_load %arg6[%swap3A_7] {strides = array<i32>} : memref<128xf32, #tpu.memory_space<vmem>>, vector<16xf32>,
    %swap3A_9 = vector.shape_cast %swap3A_8 : vector<16xf32> to vector<16xf32>
    %swap3A_10 = vector.shape_cast %broadcast_in_dim3A_3 : vector<16xf32> to vector<16xf32>
    tpu.vector_store %arg6[%swap3A_7], %swap3A_10 {strides = array<i32>} : memref<128xf32, #tpu.memory_space<vmem>>, vector<16xf32>,
    %swap3A_11 = arith.constant 32 : index
    %swap3A_12 = tpu.vector_load %arg6[%swap3A_11] {strides = array<i32>} : memref<128xf32, #tpu.memory_space<vmem>>, vector<16xf32>,
    %swap3A_13 = vector.shape_cast %swap3A_12 : vector<16xf32> to vector<16xf32>
    %swap3A_14 = vector.shape_cast %broadcast_in_dim3A_3 : vector<16xf32> to vector<16xf32>
    tpu.vector_store %arg6[%swap3A_11], %swap3A_14 {strides = array<i32>} : memref<128xf32, #tpu.memory_space<vmem>>, vector<16xf32>,
    %swap3A_15 = arith.constant 48 : index
    %swap3A_16 = tpu.vector_load %arg6[%swap3A_15] {strides = array<i32>} : memref<128xf32, #tpu.memory_space<vmem>>, vector<16xf32>,
    %swap3A_17 = vector.shape_cast %swap3A_16 : vector<16xf32> to vector<16xf32>
    %swap3A_18 = vector.shape_cast %broadcast_in_dim3A_3 : vector<16xf32> to vector<16xf32>
    tpu.vector_store %arg6[%swap3A_15], %swap3A_18 {strides = array<i32>} : memref<128xf32, #tpu.memory_space<vmem>>, vector<16xf32>,
    %swap3A_19 = arith.constant 64 : index
    %swap3A_20 = tpu.vector_load %arg6[%swap3A_19] {strides = array<i32>} : memref<128xf32, #tpu.memory_space<vmem>>, vector<16xf32>,
    %swap3A_21 = vector.shape_cast %swap3A_20 : vector<16xf32> to vector<16xf32>
    %swap3A_22 = vector.shape_cast %broadcast_in_dim3A_3 : vector<16xf32> to vector<16xf32>
    tpu.vector_store %arg6[%swap3A_19], %swap3A_22 {strides = array<i32>} : memref<128xf32, #tpu.memory_space<vmem>>, vector<16xf32>,
    %swap3A_23 = arith.constant 80 : index
    %swap3A_24 = tpu.vector_load %arg6[%swap3A_23] {strides = array<i32>} : memref<128xf32, #tpu.memory_space<vmem>>, vector<16xf32>,
    %swap3A_25 = vector.shape_cast %swap3A_24 : vector<16xf32> to vector<16xf32>
    %swap3A_26 = vector.shape_cast %broadcast_in_dim3A_3 : vector<16xf32> to vector<16xf32>
    tpu.vector_store %arg6[%swap3A_23], %swap3A_26 {strides = array<i32>} : memref<128xf32, #tpu.memory_space<vmem>>, vector<16xf32>,
    %swap3A_27 = arith.constant 96 : index
    %swap3A_28 = tpu.vector_load %arg6[%swap3A_27] {strides = array<i32>} : memref<128xf32, #tpu.memory_space<vmem>>, vector<16xf32>,
    %swap3A_29 = vector.shape_cast %swap3A_28 : vector<16xf32> to vector<16xf32>
    %swap3A_30 = vector.shape_cast %broadcast_in_dim3A_3 : vector<16xf32> to vector<16xf32>
    tpu.vector_store %arg6[%swap3A_27], %swap3A_30 {strides = array<i32>} : memref<128xf32, #tpu.memory_space<vmem>>, vector<16xf32>,
    %swap3A_31 = arith.constant 112 : index
    %swap3A_32 = tpu.vector_load %arg6[%swap3A_31] {strides = array<i32>} : memref<128xf32, #tpu.memory_space<vmem>>, vector<16xf32>,
    %swap3A_33 = vector.shape_cast %swap3A_32 : vector<16xf32> to vector<16xf32>
    %swap3A_34 = vector.shape_cast %broadcast_in_dim3A_3 : vector<16xf32> to vector<16xf32>
    tpu.vector_store %arg6[%swap3A_31], %swap3A_34 {strides = array<i32>} : memref<128xf32, #tpu.memory_space<vmem>>, vector<16xf32>,
    %run_scoped3A = arith.constant 1 : i32
    "tpu.region"() ({
      %run_scoped3A_48 = tpu.sem_alloc : memref<!tpu.dma_semaphore, #tpu.memory_space<semaphore_mem>>
      %dma_start3A = arith.constant 0 : i32
      %dma_start3A_49 = arith.constant 0 : i32
      %dma_start3A_50 = tpu.memref_slice %arg2[%run_scoped3A, %add3A, %dma_start3A, %dma_start3A_49] : memref<2x32x80x125xi32, #tpu.memory_space<hbm>> -> memref<1x1x80x125xi32, #tpu.memory_space<hbm>>
      %dma_start3A_51 = tpu.memref_squeeze %dma_start3A_50 : memref<1x1x80x125xi32, #tpu.memory_space<hbm>> -> memref<80x125xi32, #tpu.memory_space<hbm>>
      %dma_start3A_52 = arith.constant 0 : i32
      %dma_start3A_53 = arith.constant 0 : i32
      %dma_start3A_54 = tpu.memref_slice %arg2[%run_scoped3A, %add3A, %dma_start3A_52, %dma_start3A_53] : memref<2x32x80x125xi32, #tpu.memory_space<hbm>> -> memref<1x1x80x125xi32, #tpu.memory_space<hbm>>
      %dma_start3A_55 = tpu.memref_squeeze %dma_start3A_54 : memref<1x1x80x125xi32, #tpu.memory_space<hbm>> -> memref<80x125xi32, #tpu.memory_space<hbm>>
      tpu.enqueue_dma source(%dma_start3A_55 : memref<80x125xi32, #tpu.memory_space<hbm>>) target(%arg7 : memref<80x125xi32, #tpu.memory_space<vmem>>) target_semaphore(%run_scoped3A_48 : memref<!tpu.dma_semaphore, #tpu.memory_space<semaphore_mem>>)
      %dma_wait3A = arith.constant 0 : i32
      %dma_wait3A_56 = arith.constant 0 : i32
      %dma_wait3A_57 = tpu.memref_slice %arg2[%run_scoped3A, %add3A, %dma_wait3A, %dma_wait3A_56] : memref<2x32x80x125xi32, #tpu.memory_space<hbm>> -> memref<1x1x80x125xi32, #tpu.memory_space<hbm>>
      %dma_wait3A_58 = tpu.memref_squeeze %dma_wait3A_57 : memref<1x1x80x125xi32, #tpu.memory_space<hbm>> -> memref<80x125xi32, #tpu.memory_space<hbm>>
      %dma_wait3A_59 = arith.constant 0 : i32
      %dma_wait3A_60 = arith.constant 0 : i32
      %dma_wait3A_61 = tpu.memref_slice %arg2[%run_scoped3A, %add3A, %dma_wait3A_59, %dma_wait3A_60] : memref<2x32x80x125xi32, #tpu.memory_space<hbm>> -> memref<1x1x80x125xi32, #tpu.memory_space<hbm>>
      %dma_wait3A_62 = tpu.memref_squeeze %dma_wait3A_61 : memref<1x1x80x125xi32, #tpu.memory_space<hbm>> -> memref<80x125xi32, #tpu.memory_space<hbm>>
      tpu.wait_dma2 semaphore(%run_scoped3A_48 : memref<!tpu.dma_semaphore, #tpu.memory_space<semaphore_mem>>) src(%dma_wait3A_62 : memref<80x125xi32, #tpu.memory_space<hbm>>) dst(%arg7 : memref<80x125xi32, #tpu.memory_space<vmem>>)
      tpu.yield
    }) : () -> ()
    %barrier3A = arith.constant 0 : index
    tpu.barrier barrier_id(%barrier3A)
    %scan3A = arith.constant 0 : i32
    %scan3A_35 = arith.constant 0 : i32
    %scan3A_36 = arith.constant 80 : i32
    %scan3A_37 = arith.addi %scan3A_35, %scan3A_36 : i32
    %scan3A_38 = arith.constant 1 : i32
    scf.for %scan3A_48 = %scan3A_35 to %scan3A_37 step %scan3A_38  : i32 {
      "tpu.region"() ({
        %run_scoped3A_49 = tpu.sem_alloc : memref<!tpu.dma_semaphore, #tpu.memory_space<semaphore_mem>>
        %dma_start3A = arith.constant 0 : i32
        %dma_start3A_50 = tpu.memref_slice %arg6[%dma_start3A] : memref<128xf32, #tpu.memory_space<vmem>> -> memref<125xf32, #tpu.memory_space<vmem>>
        %dma_start3A_51 = arith.constant 0 : i32
        %dma_start3A_52 = tpu.memref_slice %arg7[%scan3A_48, %dma_start3A_51] : memref<80x125xi32, #tpu.memory_space<vmem>> -> memref<1x125xi32, #tpu.memory_space<vmem>>
        %dma_start3A_53 = tpu.memref_squeeze %dma_start3A_52 : memref<1x125xi32, #tpu.memory_space<vmem>> -> memref<125xi32, #tpu.memory_space<vmem>>
        %dma_start3A_54 = arith.constant 0 : i32
        %dma_start3A_55 = tpu.memref_slice %arg5[%dma_start3A_54] : memref<10240xf32, #tpu.memory_space<vmem_shared>> -> memref<10240xf32, #tpu.memory_space<vmem_shared>>
        tpu.enqueue_indirect_dma source(%dma_start3A_50 : memref<125xf32, #tpu.memory_space<vmem>>) target(%dma_start3A_55 : memref<10240xf32, #tpu.memory_space<vmem_shared>>) offsets(%dma_start3A_53 : memref<125xi32, #tpu.memory_space<vmem>>) semaphore(%run_scoped3A_49 : memref<!tpu.dma_semaphore, #tpu.memory_space<semaphore_mem>>) {add = true}
        %dma_wait3A = arith.constant 0 : i32
        %dma_wait3A_56 = tpu.memref_slice %arg6[%dma_wait3A] : memref<128xf32, #tpu.memory_space<vmem>> -> memref<125xf32, #tpu.memory_space<vmem>>
        %dma_wait3A_57 = arith.constant 0 : i32
        %dma_wait3A_58 = tpu.memref_slice %arg7[%scan3A_48, %dma_wait3A_57] : memref<80x125xi32, #tpu.memory_space<vmem>> -> memref<1x125xi32, #tpu.memory_space<vmem>>
        %dma_wait3A_59 = tpu.memref_squeeze %dma_wait3A_58 : memref<1x125xi32, #tpu.memory_space<vmem>> -> memref<125xi32, #tpu.memory_space<vmem>>
        %dma_wait3A_60 = arith.constant 0 : i32
        %dma_wait3A_61 = tpu.memref_slice %arg5[%dma_wait3A_60] : memref<10240xf32, #tpu.memory_space<vmem_shared>> -> memref<10240xf32, #tpu.memory_space<vmem_shared>>
        tpu.wait_indirect_dma semaphore(%run_scoped3A_49 : memref<!tpu.dma_semaphore, #tpu.memory_space<semaphore_mem>>) src(%dma_wait3A_56 : memref<125xf32, #tpu.memory_space<vmem>>) dst(%dma_wait3A_61 : memref<10240xf32, #tpu.memory_space<vmem_shared>>)
        tpu.yield
      }) : () -> ()
    }
    %scan3A_39 = arith.constant 80 : i32
    %barrier3A_40 = arith.constant 0 : index
    tpu.barrier barrier_id(%barrier3A_40)
    %mul3A_41 = arith.constant 640 : i32
    %mul3A_42 = arith.muli %arg1, %mul3A_41 : i32
    %mul3A_43 = arith.constant 10240 : i32
    %mul3A_44 = arith.muli %arg0, %mul3A_43 : i32
    %mul3A_45 = arith.constant 640 : i32
    %mul3A_46 = arith.muli %arg1, %mul3A_45 : i32
    %add3A_47 = arith.addi %mul3A_44, %mul3A_46 : i32
    "tpu.region"() ({
      %run_scoped3A_48 = tpu.sem_alloc : memref<!tpu.dma_semaphore, #tpu.memory_space<semaphore_mem>>
      %dma_start3A = tpu.memref_slice %arg4[%add3A_47] : memref<20480xf32, #tpu.memory_space<hbm>> -> memref<640xf32, #tpu.memory_space<hbm>>
      %dma_start3A_49 = tpu.memref_slice %arg5[%mul3A_42] : memref<10240xf32, #tpu.memory_space<vmem_shared>> -> memref<640xf32, #tpu.memory_space<vmem_shared>>
      tpu.enqueue_dma source(%dma_start3A_49 : memref<640xf32, #tpu.memory_space<vmem_shared>>) target(%dma_start3A : memref<640xf32, #tpu.memory_space<hbm>>) target_semaphore(%run_scoped3A_48 : memref<!tpu.dma_semaphore, #tpu.memory_space<semaphore_mem>>)
      %dma_wait3A = tpu.memref_slice %arg4[%add3A_47] : memref<20480xf32, #tpu.memory_space<hbm>> -> memref<640xf32, #tpu.memory_space<hbm>>
      %dma_wait3A_50 = tpu.memref_slice %arg5[%mul3A_42] : memref<10240xf32, #tpu.memory_space<vmem_shared>> -> memref<640xf32, #tpu.memory_space<vmem_shared>>
      tpu.wait_dma2 semaphore(%run_scoped3A_48 : memref<!tpu.dma_semaphore, #tpu.memory_space<semaphore_mem>>) src(%dma_wait3A_50 : memref<640xf32, #tpu.memory_space<vmem_shared>>) dst(%dma_wait3A : memref<640xf32, #tpu.memory_space<hbm>>)
      tpu.yield
    }) : () -> ()
    return
  }
}

module attributes {stable_mosaic.version = 14 : i64} {
  func.func @_mm_body(%arg0: i32, %arg1: memref<2048x2xf32, #tpu.memory_space<vmem>>, %arg2: memref<2048x128xf32, #tpu.memory_space<vmem>>, %arg3: memref<128x128xf32, #tpu.memory_space<vmem>>, %arg4: memref<2048x128xf32, #tpu.memory_space<vmem>>) attributes {dimension_semantics = [#tpu.dimension_semantics<arbitrary>], iteration_bounds = array<i64: 5>, scalar_prefetch = 0 : i64, scratch_operands = 0 : i64, tpu.core_type = #tpu.core_type<tc>, window_params = [{transform_indices = @transform_0, window_bounds = array<i64: 2048, 2>}, {transform_indices = @transform_1, window_bounds = array<i64: 2048, 128>}, {pipeline_mode = #tpu.pipeline_mode<synchronous>, transform_indices = @transform_2, window_bounds = array<i64: 128, 128>}, {transform_indices = @transform_3, window_bounds = array<i64: 2048, 128>}]} {
    %get3A = arith.constant 0 : index
    %get3A_0 = arith.constant 0 : index
    %get3A_1 = vector.load %arg1[%get3A, %get3A_0] : memref<2048x2xf32, #tpu.memory_space<vmem>>, vector<2048x2xf32>
    %slice3A = vector.extract_strided_slice %get3A_1 {offsets = [0, 0], sizes = [2048, 1], strides = [1, 1]} : vector<2048x2xf32> to vector<2048x1xf32>
    %slice3A_2 = vector.extract_strided_slice %get3A_1 {offsets = [0, 1], sizes = [2048, 1], strides = [1, 1]} : vector<2048x2xf32> to vector<2048x1xf32>
    %add3A = arith.addf %slice3A, %slice3A_2 : vector<2048x1xf32>
    %add3A_3 = arith.constant 1.000000e+00 : f32
    %add3A_4 = vector.broadcast %add3A_3 : f32 to vector<2048x1xf32>
    %add3A_5 = arith.addf %add3A, %add3A_4 : vector<2048x1xf32>
    %rsqrt3A = math.rsqrt %add3A_5 : vector<2048x1xf32>
    %get3A_6 = arith.constant 0 : index
    %get3A_7 = arith.constant 0 : index
    %get3A_8 = vector.load %arg2[%get3A_6, %get3A_7] : memref<2048x128xf32, #tpu.memory_space<vmem>>, vector<2048x128xf32>
    %get3A_9 = arith.constant 0 : index
    %get3A_10 = arith.constant 0 : index
    %get3A_11 = vector.load %arg3[%get3A_9, %get3A_10] : memref<128x128xf32, #tpu.memory_space<vmem>>, vector<128x128xf32>
    %dot_general3A = arith.constant dense<0.000000e+00> : vector<2048x128xf32>
    %dot_general3A_12 = tpu.matmul %get3A_8, %get3A_11, %dot_general3A {dimension_numbers = #tpu.dot_dimension_numbers<[1], [0], [0], [1], [0, 0, 1, 1], [], []>, transpose_lhs_hint = false} : vector<2048x128xf32>, vector<128x128xf32>, vector<2048x128xf32> -> vector<2048x128xf32>
    %mul3A = vector.broadcast %rsqrt3A : vector<2048x1xf32> to vector<2048x128xf32>
    %mul3A_13 = arith.mulf %dot_general3A_12, %mul3A : vector<2048x128xf32>
    %swap3A = arith.constant 0 : index
    %swap3A_14 = arith.constant 0 : index
    %swap3A_15 = vector.load %arg4[%swap3A, %swap3A_14] : memref<2048x128xf32, #tpu.memory_space<vmem>>, vector<2048x128xf32>
    tpu.vector_store %arg4[%swap3A, %swap3A_14], %mul3A_13 {strides = array<i32>} : memref<2048x128xf32, #tpu.memory_space<vmem>>, vector<2048x128xf32>,
    return
  }
  func.func @transform_0(%arg0: i32) -> (i32, i32) {
    %c0_i32 = arith.constant 0 : i32
    %c0_i32_0 = arith.constant 0 : i32
    return %arg0, %c0_i32 : i32, i32
  }
  func.func @transform_1(%arg0: i32) -> (i32, i32) {
    %c0_i32 = arith.constant 0 : i32
    %c0_i32_0 = arith.constant 0 : i32
    return %arg0, %c0_i32 : i32, i32
  }
  func.func @transform_2(%arg0: i32) -> (i32, i32) {
    %c0_i32 = arith.constant 0 : i32
    %c0_i32_0 = arith.constant 0 : i32
    %c0_i32_1 = arith.constant 0 : i32
    return %c0_i32, %c0_i32_0 : i32, i32
  }
  func.func @transform_3(%arg0: i32) -> (i32, i32) {
    %c0_i32 = arith.constant 0 : i32
    %c0_i32_0 = arith.constant 0 : i32
    return %arg0, %c0_i32 : i32, i32
  }
}

module attributes {stable_mosaic.version = 14 : i64} {
  func.func @_fc_body(%arg0: i32, %arg1: memref<2000x2xf32, #tpu.memory_space<vmem>>, %arg2: memref<1x2000x128xf32, #tpu.memory_space<vmem>>, %arg3: memref<1x2000x128xf32, #tpu.memory_space<vmem>>, %arg4: memref<1x128xf32, #tpu.memory_space<vmem>>, %arg5: memref<128x128xf32, #tpu.memory_space<vmem>>, %arg6: memref<1x128xf32, #tpu.memory_space<vmem>>, %arg7: memref<128x128xf32, #tpu.memory_space<vmem>>, %arg8: memref<1x128xf32, #tpu.memory_space<vmem>>, %arg9: memref<2000x128xf32, #tpu.memory_space<vmem>>) attributes {dimension_semantics = [#tpu.dimension_semantics<arbitrary>], iteration_bounds = array<i64: 5>, scalar_prefetch = 0 : i64, scratch_operands = 0 : i64, tpu.core_type = #tpu.core_type<tc>, window_params = [{transform_indices = @transform_0, window_bounds = array<i64: 2000, 2>}, {transform_indices = @transform_1, window_bounds = array<i64: 1, 2000, 128>}, {transform_indices = @transform_2, window_bounds = array<i64: 1, 2000, 128>}, {pipeline_mode = #tpu.pipeline_mode<synchronous>, transform_indices = @transform_3, window_bounds = array<i64: 1, 128>}, {pipeline_mode = #tpu.pipeline_mode<synchronous>, transform_indices = @transform_4, window_bounds = array<i64: 128, 128>}, {pipeline_mode = #tpu.pipeline_mode<synchronous>, transform_indices = @transform_5, window_bounds = array<i64: 1, 128>}, {pipeline_mode = #tpu.pipeline_mode<synchronous>, transform_indices = @transform_6, window_bounds = array<i64: 128, 128>}, {pipeline_mode = #tpu.pipeline_mode<synchronous>, transform_indices = @transform_7, window_bounds = array<i64: 1, 128>}, {transform_indices = @transform_8, window_bounds = array<i64: 2000, 128>}]} {
    %get3A = arith.constant 0 : index
    %get3A_0 = arith.constant 0 : index
    %get3A_1 = vector.load %arg1[%get3A, %get3A_0] : memref<2000x2xf32, #tpu.memory_space<vmem>>, vector<2000x2xf32>
    %slice3A = vector.extract_strided_slice %get3A_1 {offsets = [0, 0], sizes = [2000, 1], strides = [1, 1]} : vector<2000x2xf32> to vector<2000x1xf32>
    %slice3A_2 = vector.extract_strided_slice %get3A_1 {offsets = [0, 1], sizes = [2000, 1], strides = [1, 1]} : vector<2000x2xf32> to vector<2000x1xf32>
    %add3A = arith.addf %slice3A, %slice3A_2 : vector<2000x1xf32>
    %add3A_3 = arith.constant 1.000000e+00 : f32
    %add3A_4 = vector.broadcast %add3A_3 : f32 to vector<2000x1xf32>
    %add3A_5 = arith.addf %add3A, %add3A_4 : vector<2000x1xf32>
    %rsqrt3A = math.rsqrt %add3A_5 : vector<2000x1xf32>
    %get3A_6 = arith.constant 0 : index
    %get3A_7 = arith.constant 0 : index
    %get3A_8 = arith.constant 0 : index
    %get3A_9 = vector.load %arg2[%get3A_6, %get3A_7, %get3A_8] : memref<1x2000x128xf32, #tpu.memory_space<vmem>>, vector<1x2000x128xf32>
    %get3A_10 = vector.shape_cast %get3A_9 : vector<1x2000x128xf32> to vector<2000x128xf32>
    %get3A_11 = arith.constant 0 : index
    %get3A_12 = arith.constant 0 : index
    %get3A_13 = arith.constant 0 : index
    %get3A_14 = vector.load %arg3[%get3A_11, %get3A_12, %get3A_13] : memref<1x2000x128xf32, #tpu.memory_space<vmem>>, vector<1x2000x128xf32>
    %get3A_15 = vector.shape_cast %get3A_14 : vector<1x2000x128xf32> to vector<2000x128xf32>
    %add3A_16 = arith.addf %get3A_10, %get3A_15 : vector<2000x128xf32>
    %mul3A = vector.broadcast %rsqrt3A : vector<2000x1xf32> to vector<2000x128xf32>
    %mul3A_17 = arith.mulf %add3A_16, %mul3A : vector<2000x128xf32>
    %get3A_18 = arith.constant 0 : index
    %get3A_19 = arith.constant 0 : index
    %get3A_20 = vector.load %arg4[%get3A_18, %get3A_19] : memref<1x128xf32, #tpu.memory_space<vmem>>, vector<1x128xf32>
    %add3A_21 = vector.broadcast %get3A_20 : vector<1x128xf32> to vector<2000x128xf32>
    %add3A_22 = arith.addf %mul3A_17, %add3A_21 : vector<2000x128xf32>
    %max3A = arith.constant 0.000000e+00 : f32
    %max3A_23 = vector.broadcast %max3A : f32 to vector<2000x128xf32>
    %max3A_24 = arith.maximumf %add3A_22, %max3A_23 : vector<2000x128xf32>
    %get3A_25 = arith.constant 0 : index
    %get3A_26 = arith.constant 0 : index
    %get3A_27 = vector.load %arg5[%get3A_25, %get3A_26] : memref<128x128xf32, #tpu.memory_space<vmem>>, vector<128x128xf32>
    %dot_general3A = arith.constant dense<0.000000e+00> : vector<2000x128xf32>
    %dot_general3A_28 = tpu.matmul %max3A_24, %get3A_27, %dot_general3A {dimension_numbers = #tpu.dot_dimension_numbers<[1], [0], [0], [1], [0, 0, 1, 1], [], []>, transpose_lhs_hint = false} : vector<2000x128xf32>, vector<128x128xf32>, vector<2000x128xf32> -> vector<2000x128xf32>
    %get3A_29 = arith.constant 0 : index
    %get3A_30 = arith.constant 0 : index
    %get3A_31 = vector.load %arg6[%get3A_29, %get3A_30] : memref<1x128xf32, #tpu.memory_space<vmem>>, vector<1x128xf32>
    %add3A_32 = vector.broadcast %get3A_31 : vector<1x128xf32> to vector<2000x128xf32>
    %add3A_33 = arith.addf %dot_general3A_28, %add3A_32 : vector<2000x128xf32>
    %max3A_34 = arith.constant 0.000000e+00 : f32
    %max3A_35 = vector.broadcast %max3A_34 : f32 to vector<2000x128xf32>
    %max3A_36 = arith.maximumf %add3A_33, %max3A_35 : vector<2000x128xf32>
    %get3A_37 = arith.constant 0 : index
    %get3A_38 = arith.constant 0 : index
    %get3A_39 = vector.load %arg7[%get3A_37, %get3A_38] : memref<128x128xf32, #tpu.memory_space<vmem>>, vector<128x128xf32>
    %dot_general3A_40 = arith.constant dense<0.000000e+00> : vector<2000x128xf32>
    %dot_general3A_41 = tpu.matmul %max3A_36, %get3A_39, %dot_general3A_40 {dimension_numbers = #tpu.dot_dimension_numbers<[1], [0], [0], [1], [0, 0, 1, 1], [], []>, transpose_lhs_hint = false} : vector<2000x128xf32>, vector<128x128xf32>, vector<2000x128xf32> -> vector<2000x128xf32>
    %get3A_42 = arith.constant 0 : index
    %get3A_43 = arith.constant 0 : index
    %get3A_44 = vector.load %arg8[%get3A_42, %get3A_43] : memref<1x128xf32, #tpu.memory_space<vmem>>, vector<1x128xf32>
    %add3A_45 = vector.broadcast %get3A_44 : vector<1x128xf32> to vector<2000x128xf32>
    %add3A_46 = arith.addf %dot_general3A_41, %add3A_45 : vector<2000x128xf32>
    %swap3A = arith.constant 0 : index
    %swap3A_47 = arith.constant 0 : index
    %swap3A_48 = vector.load %arg9[%swap3A, %swap3A_47] : memref<2000x128xf32, #tpu.memory_space<vmem>>, vector<2000x128xf32>
    tpu.vector_store %arg9[%swap3A, %swap3A_47], %add3A_46 {strides = array<i32>} : memref<2000x128xf32, #tpu.memory_space<vmem>>, vector<2000x128xf32>,
    return
  }
  func.func @transform_0(%arg0: i32) -> (i32, i32) {
    %c0_i32 = arith.constant 0 : i32
    %c0_i32_0 = arith.constant 0 : i32
    return %arg0, %c0_i32 : i32, i32
  }
  func.func @transform_1(%arg0: i32) -> (i32, i32, i32) {
    %c0_i32 = arith.constant 0 : i32
    %c0_i32_0 = arith.constant 0 : i32
    %c0_i32_1 = arith.constant 0 : i32
    return %c0_i32, %arg0, %c0_i32_0 : i32, i32, i32
  }
  func.func @transform_2(%arg0: i32) -> (i32, i32, i32) {
    %c1_i32 = arith.constant 1 : i32
    %c0_i32 = arith.constant 0 : i32
    %c0_i32_0 = arith.constant 0 : i32
    return %c1_i32, %arg0, %c0_i32 : i32, i32, i32
  }
  func.func @transform_3(%arg0: i32) -> (i32, i32) {
    %c0_i32 = arith.constant 0 : i32
    %c0_i32_0 = arith.constant 0 : i32
    %c0_i32_1 = arith.constant 0 : i32
    return %c0_i32, %c0_i32_0 : i32, i32
  }
  func.func @transform_4(%arg0: i32) -> (i32, i32) {
    %c0_i32 = arith.constant 0 : i32
    %c0_i32_0 = arith.constant 0 : i32
    %c0_i32_1 = arith.constant 0 : i32
    return %c0_i32, %c0_i32_0 : i32, i32
  }
  func.func @transform_5(%arg0: i32) -> (i32, i32) {
    %c0_i32 = arith.constant 0 : i32
    %c0_i32_0 = arith.constant 0 : i32
    %c0_i32_1 = arith.constant 0 : i32
    return %c0_i32, %c0_i32_0 : i32, i32
  }
  func.func @transform_6(%arg0: i32) -> (i32, i32) {
    %c0_i32 = arith.constant 0 : i32
    %c0_i32_0 = arith.constant 0 : i32
    %c0_i32_1 = arith.constant 0 : i32
    return %c0_i32, %c0_i32_0 : i32, i32
  }
  func.func @transform_7(%arg0: i32) -> (i32, i32) {
    %c0_i32 = arith.constant 0 : i32
    %c0_i32_0 = arith.constant 0 : i32
    %c0_i32_1 = arith.constant 0 : i32
    return %c0_i32, %c0_i32_0 : i32, i32
  }
  func.func @transform_8(%arg0: i32) -> (i32, i32) {
    %c0_i32 = arith.constant 0 : i32
    %c0_i32_0 = arith.constant 0 : i32
    return %arg0, %c0_i32 : i32, i32
  }
}

</mosaic_0001>

<sc_bundles>
// kernel: kernel.6.cloned.1.call-start
scs
__scs_entry_jumppad:
0x0: {  	(pc) =	sbr.rel $0x88, $3  }
0x1: {  	(tag) =	ssettag $0x0;
	lr =	simm.s32 $0x1  }
0x2: {  	[smem:$0x3F99] =	sst lr;
	_ =	strace $0xD0000000  }
0x3: {  	_ = 	snop  }
0x4: {  	_ = 	snop  }
0x5: {  	_ = 	snop  }
0x6: {  	_ = 	snop  }
0x7: {  	_ = 	snop  }
__scs_overlays_trampoline_lowered:
0x8: {  	[smem:$0x3FA8] =	sst s0  }
0x9: {  	[smem:$0x3FA9] =	sst s1  }
0xa: {  	[smem:$0x3FAA] =	sst s2  }
0xb: {  	[smem:$0x3FAB] =	sst s3  }
0xc: {  	[smem:$0x3FAC] =	sst s4  }
0xd: {  	[smem:$0x3FAD] =	sst s5  }
0xe: {  	[smem:$0x3FAE] =	sst s6  }
0xf: {  	[smem:$0x3FAF] =	sst s7  }
0x10: {  	[smem:$0x3FB0] =	sst s8  }
0x11: {  	[smem:$0x3FB1] =	sst s9;
	s0 =	simm.s32 @!p0 $0x0  }
0x12: {  	s1 =	sld [smem:$0x3F97];
	s0 =	simm.s32 @p0 $0x1  }
0x13: {  	[smem:$0x3FB2] =	sst s0;
	s0 =	simm.s32 @!p1 $0x0  }
0x14: {  	s2 =	sld [smem:$0x3F96];
	s0 =	simm.s32 @p1 $0x1  }
0x15: {  	[smem:$0x3FB3] =	sst s0;
	s0 =	simm.s32 @!p2 $0x0  }
0x16: {  	s3 =	sld [smem:$0x3FDB];
	s0 =	simm.s32 @p2 $0x1  }
0x17: {  	s4 =	simm.s32 $0x1BF5;
	[smem:$0x3FB5] =	sst s0  }
0x18: {  	s0 =	sld [smem:$0x3F98];
	_ =	swait.ge [sflag:s4], $0x0  }
0x19: {  	s7 =	sld [smem:$0x3F99]  }
0x1a: {  	s8 =	sadd.s32 $0xFFFFE003, lr  }
0x1b: {  	s9 =	sadd.s32 $0xFFFFFEF7, lr;
	s5 =	simm.s32 $0xFFFFFFFF;
	p2 =	slt.u32 s8, $0xFFFFF086  }
0x1c: {  	p1 =	slt.u32 s9, $0xF7A;
	s5 =	simm.s32 @!p2 $0x0  }
0x1d: {  	s5 =	simm.s32 @p1 $0x1;
	p0 =	seq.s32 s7, s2  }
0x1e: {  	s7 =	smul.u32 @!p0 $0xF7A, s2;
	p2 =	seq.s32 @!p0 s5, $0x0  }
0x1f: {  	s9 =	smul.u32 $0xF7A, s1;
	s8 =	simm.s32 @!p0 $0x1BF5;
	p2 =	por !p2, p0  }
0x20: {  	[sflag:s8] =	ssyncset.s32 @!p0 $0xFFFFF086;
	s6 =	sadd.s32 @!p0 s3, s7;
	s7 =	simm.s32 @!p0 $0x108  }
0x21: {  	s3 =	sadd.s32 s3, s9;
	s6 =	sadd.s32 @!p0 $0x88, s6;
	s7 =	simm.s32 @p2 $0x1082  }
0x22: {  	[simem:s7], [sflag:s8] =	dma.local @!p0 [hbm:s6], $0xF7A  }
0x23: {  	s9 =	sor.u32 $0xD0000000, s2;
	s6 =	simm.s32 $0x108;
	_ =	swait.ge @!p0 [sflag:s8], $0x0  }
0x24: {  	s3 =	sadd.s32 $0x88, s3;
	s6 =	simm.s32 @!p1 $0x1082;
	[sflag:s4] =	ssyncset.s32 $0xFFFFF086  }
0x25: {  	[simem:s6], [sflag:s4] =	dma.local [hbm:s3], $0xF7A  }
0x26: {  	[smem:$0x3F99] =	sst s1;
	(tag) =	ssettag s2;
	_ =	strace s9  }
0x27: {  	s1 =	sld [smem:$0x3FA9]  }
0x28: {  	s2 =	sld [smem:$0x3FAA]  }
0x29: {  	s4 =	sld [smem:$0x3FAC]  }
0x2a: {  	p0 =	seq.s32 s5, $0x0;
	s5 =	sld [smem:$0x3FAD]  }
0x2b: {  	s6 =	sld [smem:$0x3FAE]  }
0x2c: {  	s7 =	sld [smem:$0x3FAF]  }
0x2d: {  	s3 =	simm.s32 $0x108;
	s8 =	sld [smem:$0x3FB0]  }
0x2e: {  	s3 =	simm.s32 @!p0 $0x1082;
	s9 =	sld [smem:$0x3FB1]  }
0x2f: {  	lr =	sadd.s32 s0, s3;
	s0 =	sld [smem:$0x3FA8]  }
0x30: {  	s3 =	sld [smem:$0x3FAB]  }
0x31: {  	[smem:$0x3FB4] =	sst s10  }
0x32: {  	s10 =	sld [smem:$0x3FB2];
	_ =	sdelay $0x3  }
0x33: {  	p0 =	seq.s32 s10, $0x1;
	s10 =	sld [smem:$0x3FB4];
	_ =	sdelay $0x3  }
0x34: {  	[smem:$0x3FB4] =	sst s10  }
0x35: {  	s10 =	sld [smem:$0x3FB3];
	_ =	sdelay $0x3  }
0x36: {  	p1 =	seq.s32 s10, $0x1;
	s10 =	sld [smem:$0x3FB4];
	_ =	sdelay $0x3  }
0x37: {  	[smem:$0x3FB4] =	sst s10  }
0x38: {  	s10 =	sld [smem:$0x3FB5]  }
0x39: {  	_ = 	snop;
	(pc) =	sbr.ind lr, $3  }
0x3a: {  	_ = 	snop  }
0x3b: {  	_ = 	snop  }
0x3c: {  	p2 =	seq.s32 s10, $0x1;
	s10 =	sld [smem:$0x3FB4]  }
0x3d: {  	_ =	shalt  }
0x3e: {  	_ =	shalt  }
0x3f: {  	_ =	shalt  }
0x40: {  	_ =	shalt  }
0x41: {  	_ =	shalt  }
0x42: {  	_ =	shalt  }
0x43: {  	_ =	shalt  }
0x44: {  	_ =	shalt  }
0x45: {  	_ =	shalt  }
0x46: {  	_ =	shalt  }
0x47: {  	_ =	shalt  }
0x48: {  	_ =	shalt  }
0x49: {  	_ =	shalt  }
0x4a: {  	_ =	shalt  }
0x4b: {  	_ =	shalt  }
0x4c: {  	_ =	shalt  }
0x4d: {  	_ =	shalt  }
0x4e: {  	_ =	shalt  }
0x4f: {  	_ =	shalt  }
0x50: {  	_ =	shalt  }
0x51: {  	_ =	shalt  }
0x52: {  	_ =	shalt  }
0x53: {  	_ =	shalt  }
0x54: {  	_ =	shalt  }
0x55: {  	_ =	shalt  }
0x56: {  	_ =	shalt  }
0x57: {  	_ =	shalt  }
0x58: {  	_ =	shalt  }
0x59: {  	_ =	shalt  }
0x5a: {  	_ =	shalt  }
0x5b: {  	_ =	shalt  }
0x5c: {  	_ =	shalt  }
0x5d: {  	_ =	shalt  }
0x5e: {  	_ =	shalt  }
0x5f: {  	_ =	shalt  }
0x60: {  	_ =	shalt  }
0x61: {  	_ =	shalt  }
0x62: {  	_ =	shalt  }
0x63: {  	_ =	shalt  }
0x64: {  	_ =	shalt  }
0x65: {  	_ =	shalt  }
0x66: {  	_ =	shalt  }
0x67: {  	_ =	shalt  }
0x68: {  	_ =	shalt  }
0x69: {  	_ =	shalt  }
0x6a: {  	_ =	shalt  }
0x6b: {  	_ =	shalt  }
0x6c: {  	_ =	shalt  }
0x6d: {  	_ =	shalt  }
0x6e: {  	_ =	shalt  }
0x6f: {  	_ =	shalt  }
0x70: {  	_ =	shalt  }
0x71: {  	_ =	shalt  }
0x72: {  	_ =	shalt  }
0x73: {  	_ =	shalt  }
0x74: {  	_ =	shalt  }
0x75: {  	_ =	shalt  }
0x76: {  	_ =	shalt  }
0x77: {  	_ =	shalt  }
0x78: {  	_ =	shalt  }
0x79: {  	_ =	shalt  }
0x7a: {  	_ =	shalt  }
0x7b: {  	_ =	shalt  }
0x7c: {  	_ =	shalt  }
0x7d: {  	_ =	shalt  }
0x7e: {  	_ =	shalt  }
0x7f: {  	_ =	shalt  }
0x80: {  	_ =	shalt  }
0x81: {  	_ =	shalt  }
0x82: {  	_ =	shalt  }
0x83: {  	_ =	shalt  }
0x84: {  	_ =	shalt  }
0x85: {  	_ =	shalt  }
0x86: {  	_ =	shalt  }
0x87: {  	_ =	shalt  }
.Lfunc_end0:
.L_simem_size_0:
called_computation_lowered:
.L_overlay_start_0:
0x88: {  	s2 =	sld [smem:$0x3FD9]  }
0x89: {  	s3 =	sld [smem:$0x3FFE];
	_ =	sdelay $0x1  }
0x8a: {  	s1 =	srdreg.scid  }
0x8b: {  	s0 =	sand.u32 $0x1, s1  }
0x8c: {  	s17 =	sshll.u32 s0, $0xA;
	s2 =	sadd.s32 s3, s2  }
0x8d: {  	s2 =	sadd.s32 s2, s17  }
0x8e: {  	[smem:$0x3FC0] =	sst s2  }
0x8f: {  	_ = 	snop  }
0x90: {  	s2 =	sld [smem:$0x3FD0];
	(tm) =	ssettm $0x1  }
0x91: {  	s18 =	sld [smem:$0x3FFB];
	_ =	sdelay $0x3  }
0x92: {  	_ =	strace s18  }
0x93: {  	s3 =	sld [smem:$0x3FFC];
	_ =	sdelay $0x3  }
0x94: {  	_ =	strace s3  }
0x95: {  	s3 =	sld [smem:$0x3FFD];
	_ =	sdelay $0x3  }
0x96: {  	_ =	strace s3  }
0x97: {  	_ =	strace $0x8FFFFFFF  }
0x98: {  	s19 =	sld [smem:$0x3FDB];
	_ =	sdelay $0x1  }
0x99: {  	s4 =	simm.s32 $_scs_section_size  }
0x9a: {  	s5 =	simm.s32 $_size__tile_overlayer_lowered;
	s6 =	simm.s32 $_tile_overlayer_lowered  }
0x9b: {  	s22 =	simm.s32 $0x1BFF;
	s21 =	sshll.u32 s6, $0x1;
	s3 =	sadd.s32 s4, s19  }
0x9c: {  	s7 =	simm.s32 $0x0;
	s20 =	sshll.u32 s5, $0x1;
	s5 =	sadd.s32 s21, s3  }
0x9d: {  	[timem:s7], [sflag:s22] =	dma.local [hbm:s5], s20  }
0x9e: {  	_ =	swait.ge [sflag:s22], s20  }
0x9f: {  	s4 =	ssub.s32 $0x0, s20;
	[sflag:s22] =	ssyncset.done $0x0  }
0xa0: {  	[sflag:s22] =	ssyncadd.s32 s4;
	_ =	sdelay $0x1  }
0xa1: {  	s23 =	simm.s32 $0x1B8B  }
0xa2: {  	_ =	swait.ge [sflag:s23], $0x1  }
0xa3: {  	[sflag:s23] =	ssyncset.done $0x0  }
0xa4: {  	s25 =	simm.s32 $0x1B8E;
	s24 =	sld [smem:$0x3FFE];
	[sflag:s23] =	ssyncadd.s32 $0xFFFFFFFF  }
0xa5: {  	s26 =	simm.s32 $execute0_lowered;
	[smem:$0x3FD2] =	sst s25  }
0xa6: {  	s5 =	sshll.u32 s26, $0x1;
	_ =	strace $0x80000046;
	[dreg:$0x1] =	wrdreg $0xFFFFFFFF  }
0xa7: {  	s28 =	simm.s32 $_size_execute0_lowered;
	s3 =	sadd.s32 s3, s5;
	[dreg:$0x0] =	wrdreg $0x0  }
0xa8: {  	s5 =	sshll.u32 s28, $0x1;
	[dreg:$0x2] =	wrdreg s3  }
0xa9: {  	[dreg:$0x3] =	wrdreg s5  }
0xaa: {  	[dreg:$0x4] =	wrdreg $0xC0  }
0xab: {  	_ =	task [dreg:s7], $0x5FFFF  }
0xac: {  	[dreg:$0x1] =	wrdreg $0xFFFFFFFF  }
0xad: {  	[dreg:$0x0] =	wrdreg $0x60  }
0xae: {  	[dreg:$0x2] =	wrdreg s2  }
0xaf: {  	[dreg:$0x3] =	wrdreg s24  }
0xb0: {  	[dreg:$0x4] =	wrdreg $0x0  }
0xb1: {  	[dreg:$0x5] =	wrdreg $0x9  }
0xb2: {  	_ =	task.clear_ibuf [dreg:s7], $0x6FFFF;
	_ =	strace $0x90000046  }
0xb3: {  	s29 =	simm.s32 $0x9;
	_ =	strace $0x80000048  }
0xb4: {  	_ =	swait.ge [sflag:s29], $0x1  }
0xb5: {  	[sflag:s29] =	ssyncadd.s32 $0xFFFFFFFF  }
0xb6: {  	_ =	strace $0x90000048  }
0xb7: {  	_ =	sfence  }
0xb8: {  	s30 =	sld [smem:$0x0];
	_ =	sdelay $0x2  }
0xb9: {  	s31 =	sshll.u32 s1, $0xD;
	s1 =	sshrl.u32 s1, $0x2  }
0xba: {  	s3 =	sand.u32 $0x4000, s31;
	s1 =	sadd.s32 s1, s30  }
0xbb: {  	s0 =	sor.u32 s3, s0;
	s1 =	sshll.u32 s1, $0x11  }
0xbc: {  	s0 =	sor.u32 s1, s0  }
0xbd: {  	s0 =	sadd.s32 $0x8F2B, s0  }
0xbe: {  	[sflag:s0] =	ssyncadd.remote.s32 $0x1  }
0xbf: {  	_ =	sfence.sel $0xFFFF  }
0xc0: {  	[dreg:$0x0] =	wrdreg $0xFFFFFFFF;
	(pc) =	sbr.abs _section_cstart, $3  }
0xc1: {  	[dreg:$0x1] =	wrdreg $0xFFFFFFFF  }
0xc2: {  	_ =	task.clear_ibuf [dreg:s7], $0x2FFFF;
	_ =	strace $0x9FFFFFFF  }
0xc3: {  	(tm) =	ssettm $0x7FFFFFFF  }
tec
execute0_lowered:
.L_overlay_start_1:
0x0: {  	(tag) =	ssettag $0x1  }
0x1: {  	s6 =	rddreg [dreg:$0x0]  }
0x2: {  	s5 =	rddreg [dreg:$0x1];
	s1 =	srdreg.scid  }
0x3: {  	s0 =	stileid.u32;
	s2 =	rddreg [dreg:$0x2];
	s3 =	simm.s32 $0x0  }
0x4: {  	s12 =	simm.s32 $0x7D;
	s13 =	simm.s32 $0x280;
	s14 =	simm.s32 $0x0  }
0x5: {  	s4 =	sand.u32 $0x1, s1;
	s7 =	smul.u32 $0x280, s0;
	s1 =	rddreg [dreg:$0x3]  }
0x6: {  	[smem:$0x7FF] =	sst s3;
	s31 =	sshll.u32 s0, $0x6;
	s9 =	sshll.u32 s4, $0x4  }
0x7: {  	s8 =	smul.u32 $0x2800, s4;
	_ =	strace $0x80000047;
	s9 =	sor.u32 s0, s9  }
0x8: {  	s10 =	ssub.s32 $0x2, s4;
	s4 =	sadd.s32 $0x2000, s5;
	s9 =	smul.u32 $0x2800, s9  }
0x9: {  	s30 =	sshrl.u32 s10, $0x1;
	s11 =	sadd.s32 s7, s2;
	s8 =	sadd.s32 s7, s8  }
0xa: {  	s10 =	ssub.s32 s10, s30;
	s8 =	sshrl.u32 s8, $0x3;
	s9 =	sshrl.u32 s9, $0x3  }
0xb: {  	s8 =	sadd.s32 s8, s5;
	s5 =	sor.u32 $0x1C01, s31;
	s6 =	sadd.s32 s6, s9  }
0xc: {  	s7 =	sadd.s32 $0x2200, s8;
	s8 =	smax.u32 s10, $0x1;
	s9 =	sshrl.u32 s11, $0x3  }
0xd: {  	v0 =	vimm.f32 $1.000000000e+00;
	s10 =	simm.s32 $0x1;
	s11 =	simm.s32 $0x300;
	s6 =	sadd.s32 $0xA000, s6  }
.LBB2_1:
0xe: {  	[spmem:s9], [sflag:s5] =	dma.local [hbm:s4], $0x50  }
0xf: {  	_ =	swait.ge [sflag:s10], $0x50  }
0x10: {  	[sflag:s10] =	ssyncset.done $0x0  }
0x11: {  	[sflag:s10] =	ssyncadd.s32 $0xFFFFFFB0  }
0x12: {  	[tilespmem:$0x280] =	vst v0  }
0x13: {  	[tilespmem:$0x290] =	vst v0  }
0x14: {  	[tilespmem:$0x2A0] =	vst v0  }
0x15: {  	[tilespmem:$0x2B0] =	vst v0  }
0x16: {  	[tilespmem:$0x2C0] =	vst v0  }
0x17: {  	[tilespmem:$0x2D0] =	vst v0  }
0x18: {  	[tilespmem:$0x2E0] =	vst v0  }
0x19: {  	[tilespmem:$0x2F0] =	vst v0  }
0x1a: {  	[tilespmem:s11], [sflag:$0x1] =	stream.linear.gather [hbm4b:s6+s3], $0x2800, $0x38;
	[tilespmem:$0x2B00] =	vst v63  }
0x1b: {  	_ =	swait.ge [sflag:s10], $0x2800  }
0x1c: {  	[sflag:s10] =	ssyncset.done $0x0  }
0x1d: {  	[sflag:s10] =	ssyncadd.s32 $0xFFFFD800  }
0x1e: {  	s15 =	simm.s32 $0x300;
	[bflag:$0x0] =	sbarrier.arrive $0xFFFF  }
0x1f: {  	[spmem:s2] =	stream.indirect.scatter.add.f32 [tilespmem:s13], [sflag:$0x1], $0x1, s15, s12, $0xb8;
	[tilespmem:$0x2B00] =	vst v63  }
0x20: {  	s15 =	simm.s32 $0x200;
	_ =	swait.ge [sflag:s10], $0x7D  }
.LBB2_2:
0x21: {  	s16 =	sshra.s32 s15, $0x2;
	[sflag:s10] =	ssyncset.done $0x0;
	p0 =	sne.s32 s15, $0x9E00  }
.Ltmp0:
0x22: {  	s16 =	sadd.s32 $0x300, s16;
	[sflag:s10] =	ssyncadd.s32 $0xFFFFFF83;
	(pc) =	sbr.rel @p0 .LBB2_2-.Ltmp0, $3  }
0x23: {  	[spmem:s2] =	stream.indirect.scatter.add.f32 [tilespmem:s13], [sflag:$0x1], $0x1, s16, s12, $0xb8;
	[tilespmem:$0x2B00] =	vst v63  }
0x24: {  	s15 =	sadd.s32 $0x200, s15;
	_ =	sdelay $0x1  }
0x25: {  	_ =	swait.ge [sflag:s10], $0x7D  }
0x26: {  	[sflag:s10] =	ssyncset.done $0x0;
	s14 =	sadd.s32 $0x1, s14  }
0x27: {  	[sflag:s10] =	ssyncadd.s32 $0xFFFFFF83;
	p0 =	sne.s32 s14, s8  }
.Ltmp1:
0x28: {  	[bflag:$0x0] =	sbarrier.arrive $0xFFFF;
	(pc) =	sbr.rel @p0 .LBB2_1-.Ltmp1, $4  }
0x29: {  	[hbm:s7], [sflag:s5] =	dma.local [spmem:s9], $0x50  }
0x2a: {  	_ =	swait.ge [sflag:s10], $0x50  }
0x2b: {  	[sflag:s10] =	ssyncset.done $0x0  }
0x2c: {  	[sflag:s10] =	ssyncadd.s32 $0xFFFFFFB0  }
0x2d: {  	_ =	sfence.sel $0x180000  }
0x2e: {  	[bflag:$0x0] =	sbarrier.arrive $0xFFFF  }
0x2f: {  	p0 =	sne.s32 s0, $0x0;
	_ =	strace $0x90000047  }
0x30: {  	s0 =	sadd.s32 @!p0 $0x100000, s1;
	[bflag:$0x2] =	sbarrier.arrive $0xFFFF  }
0x31: {  	[sflag:s0] =	ssyncadd.tile.s32 @!p0 $0x1;
	_ =	shalt  }
.Lfunc_end2:
_tile_overlayer_lowered:
.L_overlay_start_2:
0x32: {  	(tag) =	ssettag $0x2  }
0x33: {  	s0 =	rddreg [dreg:$0x0];
	s2 =	stileid.u32  }
0x34: {  	s1 =	rddreg [dreg:$0x1];
	p0 =	sne.s32 s2, $0x0  }
0x35: {  	s3 =	rddreg [dreg:$0x2];
	[bflag:$0x3] =	sbarrier.arrive $0xFFFF;
	s2 =	simm.s32 @!p0 $0x1C01  }
0x36: {  	[timem:s3], [sflag:s2] =	dma.local @!p0 [hbm:s0], s1  }
0x37: {  	s0 =	simm.s32 @!p0 $0x1  }
0x38: {  	_ =	swait.ge @!p0 [sflag:s0], s1  }
0x39: {  	s1 =	ssub.s32 @!p0 $0x0, s1;
	[sflag:s0] =	ssyncset.done @!p0 $0x0  }
0x3a: {  	[sflag:s0] =	ssyncadd.s32 @!p0 s1  }
0x3b: {  	[bflag:$0x3] =	sbarrier.arrive $0xFFFF  }
0x3c: {  	_ =	shalt  }

// kernel: kernel.9.cloned.1.call-start
scs
__scs_entry_jumppad:
0x0: {  	(pc) =	sbr.rel $0x88, $3  }
0x1: {  	(tag) =	ssettag $0x0;
	lr =	simm.s32 $0x1  }
0x2: {  	[smem:$0x3F99] =	sst lr;
	_ =	strace $0xD0000000  }
0x3: {  	_ = 	snop  }
0x4: {  	_ = 	snop  }
0x5: {  	_ = 	snop  }
0x6: {  	_ = 	snop  }
0x7: {  	_ = 	snop  }
__scs_overlays_trampoline_lowered:
0x8: {  	[smem:$0x3FA8] =	sst s0  }
0x9: {  	[smem:$0x3FA9] =	sst s1  }
0xa: {  	[smem:$0x3FAA] =	sst s2  }
0xb: {  	[smem:$0x3FAB] =	sst s3  }
0xc: {  	[smem:$0x3FAC] =	sst s4  }
0xd: {  	[smem:$0x3FAD] =	sst s5  }
0xe: {  	[smem:$0x3FAE] =	sst s6  }
0xf: {  	[smem:$0x3FAF] =	sst s7  }
0x10: {  	[smem:$0x3FB0] =	sst s8  }
0x11: {  	[smem:$0x3FB1] =	sst s9;
	s0 =	simm.s32 @!p0 $0x0  }
0x12: {  	s1 =	sld [smem:$0x3F97];
	s0 =	simm.s32 @p0 $0x1  }
0x13: {  	[smem:$0x3FB2] =	sst s0;
	s0 =	simm.s32 @!p1 $0x0  }
0x14: {  	s2 =	sld [smem:$0x3F96];
	s0 =	simm.s32 @p1 $0x1  }
0x15: {  	[smem:$0x3FB3] =	sst s0;
	s0 =	simm.s32 @!p2 $0x0  }
0x16: {  	s3 =	sld [smem:$0x3FDB];
	s0 =	simm.s32 @p2 $0x1  }
0x17: {  	s4 =	simm.s32 $0x1BF5;
	[smem:$0x3FB5] =	sst s0  }
0x18: {  	s0 =	sld [smem:$0x3F98];
	_ =	swait.ge [sflag:s4], $0x0  }
0x19: {  	s7 =	sld [smem:$0x3F99]  }
0x1a: {  	s8 =	sadd.s32 $0xFFFFE003, lr  }
0x1b: {  	s9 =	sadd.s32 $0xFFFFFEF7, lr;
	s5 =	simm.s32 $0xFFFFFFFF;
	p2 =	slt.u32 s8, $0xFFFFF086  }
0x1c: {  	p1 =	slt.u32 s9, $0xF7A;
	s5 =	simm.s32 @!p2 $0x0  }
0x1d: {  	s5 =	simm.s32 @p1 $0x1;
	p0 =	seq.s32 s7, s2  }
0x1e: {  	s7 =	smul.u32 @!p0 $0xF7A, s2;
	p2 =	seq.s32 @!p0 s5, $0x0  }
0x1f: {  	s9 =	smul.u32 $0xF7A, s1;
	s8 =	simm.s32 @!p0 $0x1BF5;
	p2 =	por !p2, p0  }
0x20: {  	[sflag:s8] =	ssyncset.s32 @!p0 $0xFFFFF086;
	s6 =	sadd.s32 @!p0 s3, s7;
	s7 =	simm.s32 @!p0 $0x108  }
0x21: {  	s3 =	sadd.s32 s3, s9;
	s6 =	sadd.s32 @!p0 $0x88, s6;
	s7 =	simm.s32 @p2 $0x1082  }
0x22: {  	[simem:s7], [sflag:s8] =	dma.local @!p0 [hbm:s6], $0xF7A  }
0x23: {  	s9 =	sor.u32 $0xD0000000, s2;
	s6 =	simm.s32 $0x108;
	_ =	swait.ge @!p0 [sflag:s8], $0x0  }
0x24: {  	s3 =	sadd.s32 $0x88, s3;
	s6 =	simm.s32 @!p1 $0x1082;
	[sflag:s4] =	ssyncset.s32 $0xFFFFF086  }
0x25: {  	[simem:s6], [sflag:s4] =	dma.local [hbm:s3], $0xF7A  }
0x26: {  	[smem:$0x3F99] =	sst s1;
	(tag) =	ssettag s2;
	_ =	strace s9  }
0x27: {  	s1 =	sld [smem:$0x3FA9]  }
0x28: {  	s2 =	sld [smem:$0x3FAA]  }
0x29: {  	s4 =	sld [smem:$0x3FAC]  }
0x2a: {  	p0 =	seq.s32 s5, $0x0;
	s5 =	sld [smem:$0x3FAD]  }
0x2b: {  	s6 =	sld [smem:$0x3FAE]  }
0x2c: {  	s7 =	sld [smem:$0x3FAF]  }
0x2d: {  	s3 =	simm.s32 $0x108;
	s8 =	sld [smem:$0x3FB0]  }
0x2e: {  	s3 =	simm.s32 @!p0 $0x1082;
	s9 =	sld [smem:$0x3FB1]  }
0x2f: {  	lr =	sadd.s32 s0, s3;
	s0 =	sld [smem:$0x3FA8]  }
0x30: {  	s3 =	sld [smem:$0x3FAB]  }
0x31: {  	[smem:$0x3FB4] =	sst s10  }
0x32: {  	s10 =	sld [smem:$0x3FB2];
	_ =	sdelay $0x3  }
0x33: {  	p0 =	seq.s32 s10, $0x1;
	s10 =	sld [smem:$0x3FB4];
	_ =	sdelay $0x3  }
0x34: {  	[smem:$0x3FB4] =	sst s10  }
0x35: {  	s10 =	sld [smem:$0x3FB3];
	_ =	sdelay $0x3  }
0x36: {  	p1 =	seq.s32 s10, $0x1;
	s10 =	sld [smem:$0x3FB4];
	_ =	sdelay $0x3  }
0x37: {  	[smem:$0x3FB4] =	sst s10  }
0x38: {  	s10 =	sld [smem:$0x3FB5]  }
0x39: {  	_ = 	snop;
	(pc) =	sbr.ind lr, $3  }
0x3a: {  	_ = 	snop  }
0x3b: {  	_ = 	snop  }
0x3c: {  	p2 =	seq.s32 s10, $0x1;
	s10 =	sld [smem:$0x3FB4]  }
0x3d: {  	_ =	shalt  }
0x3e: {  	_ =	shalt  }
0x3f: {  	_ =	shalt  }
0x40: {  	_ =	shalt  }
0x41: {  	_ =	shalt  }
0x42: {  	_ =	shalt  }
0x43: {  	_ =	shalt  }
0x44: {  	_ =	shalt  }
0x45: {  	_ =	shalt  }
0x46: {  	_ =	shalt  }
0x47: {  	_ =	shalt  }
0x48: {  	_ =	shalt  }
0x49: {  	_ =	shalt  }
0x4a: {  	_ =	shalt  }
0x4b: {  	_ =	shalt  }
0x4c: {  	_ =	shalt  }
0x4d: {  	_ =	shalt  }
0x4e: {  	_ =	shalt  }
0x4f: {  	_ =	shalt  }
0x50: {  	_ =	shalt  }
0x51: {  	_ =	shalt  }
0x52: {  	_ =	shalt  }
0x53: {  	_ =	shalt  }
0x54: {  	_ =	shalt  }
0x55: {  	_ =	shalt  }
0x56: {  	_ =	shalt  }
0x57: {  	_ =	shalt  }
0x58: {  	_ =	shalt  }
0x59: {  	_ =	shalt  }
0x5a: {  	_ =	shalt  }
0x5b: {  	_ =	shalt  }
0x5c: {  	_ =	shalt  }
0x5d: {  	_ =	shalt  }
0x5e: {  	_ =	shalt  }
0x5f: {  	_ =	shalt  }
0x60: {  	_ =	shalt  }
0x61: {  	_ =	shalt  }
0x62: {  	_ =	shalt  }
0x63: {  	_ =	shalt  }
0x64: {  	_ =	shalt  }
0x65: {  	_ =	shalt  }
0x66: {  	_ =	shalt  }
0x67: {  	_ =	shalt  }
0x68: {  	_ =	shalt  }
0x69: {  	_ =	shalt  }
0x6a: {  	_ =	shalt  }
0x6b: {  	_ =	shalt  }
0x6c: {  	_ =	shalt  }
0x6d: {  	_ =	shalt  }
0x6e: {  	_ =	shalt  }
0x6f: {  	_ =	shalt  }
0x70: {  	_ =	shalt  }
0x71: {  	_ =	shalt  }
0x72: {  	_ =	shalt  }
0x73: {  	_ =	shalt  }
0x74: {  	_ =	shalt  }
0x75: {  	_ =	shalt  }
0x76: {  	_ =	shalt  }
0x77: {  	_ =	shalt  }
0x78: {  	_ =	shalt  }
0x79: {  	_ =	shalt  }
0x7a: {  	_ =	shalt  }
0x7b: {  	_ =	shalt  }
0x7c: {  	_ =	shalt  }
0x7d: {  	_ =	shalt  }
0x7e: {  	_ =	shalt  }
0x7f: {  	_ =	shalt  }
0x80: {  	_ =	shalt  }
0x81: {  	_ =	shalt  }
0x82: {  	_ =	shalt  }
0x83: {  	_ =	shalt  }
0x84: {  	_ =	shalt  }
0x85: {  	_ =	shalt  }
0x86: {  	_ =	shalt  }
0x87: {  	_ =	shalt  }
.Lfunc_end0:
.L_simem_size_0:
called_computation.1_lowered:
.L_overlay_start_0:
0x88: {  	s2 =	sld [smem:$0x3FD9]  }
0x89: {  	s3 =	sld [smem:$0x3FFE];
	_ =	sdelay $0x1  }
0x8a: {  	s1 =	srdreg.scid  }
0x8b: {  	s0 =	sand.u32 $0x1, s1  }
0x8c: {  	s17 =	sshll.u32 s0, $0xA;
	s2 =	sadd.s32 s3, s2  }
0x8d: {  	s2 =	sadd.s32 s2, s17  }
0x8e: {  	[smem:$0x3FC0] =	sst s2  }
0x8f: {  	_ = 	snop  }
0x90: {  	s2 =	sld [smem:$0x3FD0];
	(tm) =	ssettm $0x1  }
0x91: {  	s18 =	sld [smem:$0x3FFB];
	_ =	sdelay $0x3  }
0x92: {  	_ =	strace s18  }
0x93: {  	s3 =	sld [smem:$0x3FFC];
	_ =	sdelay $0x3  }
0x94: {  	_ =	strace s3  }
0x95: {  	s3 =	sld [smem:$0x3FFD];
	_ =	sdelay $0x3  }
0x96: {  	_ =	strace s3  }
0x97: {  	_ =	strace $0x8FFFFFFF  }
0x98: {  	s19 =	sld [smem:$0x3FDB];
	_ =	sdelay $0x1  }
0x99: {  	s4 =	simm.s32 $_scs_section_size  }
0x9a: {  	s5 =	simm.s32 $_size__tile_overlayer_lowered;
	s6 =	simm.s32 $_tile_overlayer_lowered  }
0x9b: {  	s22 =	simm.s32 $0x1BFF;
	s21 =	sshll.u32 s6, $0x1;
	s3 =	sadd.s32 s4, s19  }
0x9c: {  	s7 =	simm.s32 $0x0;
	s20 =	sshll.u32 s5, $0x1;
	s5 =	sadd.s32 s21, s3  }
0x9d: {  	[timem:s7], [sflag:s22] =	dma.local [hbm:s5], s20  }
0x9e: {  	_ =	swait.ge [sflag:s22], s20  }
0x9f: {  	s4 =	ssub.s32 $0x0, s20;
	[sflag:s22] =	ssyncset.done $0x0  }
0xa0: {  	[sflag:s22] =	ssyncadd.s32 s4;
	_ =	sdelay $0x1  }
0xa1: {  	s23 =	simm.s32 $0x1B8B  }
0xa2: {  	_ =	swait.ge [sflag:s23], $0x1  }
0xa3: {  	[sflag:s23] =	ssyncset.done $0x0  }
0xa4: {  	s25 =	simm.s32 $0x1B8E;
	s24 =	sld [smem:$0x3FFE];
	[sflag:s23] =	ssyncadd.s32 $0xFFFFFFFF  }
0xa5: {  	s26 =	simm.s32 $execute0_lowered;
	[smem:$0x3FD2] =	sst s25  }
0xa6: {  	s5 =	sshll.u32 s26, $0x1;
	_ =	strace $0x80000049;
	[dreg:$0x1] =	wrdreg $0xFFFFFFFF  }
0xa7: {  	s28 =	simm.s32 $_size_execute0_lowered;
	s3 =	sadd.s32 s3, s5;
	[dreg:$0x0] =	wrdreg $0x0  }
0xa8: {  	s5 =	sshll.u32 s28, $0x1;
	[dreg:$0x2] =	wrdreg s3  }
0xa9: {  	[dreg:$0x3] =	wrdreg s5  }
0xaa: {  	[dreg:$0x4] =	wrdreg $0xC0  }
0xab: {  	_ =	task [dreg:s7], $0x5FFFF  }
0xac: {  	[dreg:$0x1] =	wrdreg $0xFFFFFFFF  }
0xad: {  	[dreg:$0x0] =	wrdreg $0x60  }
0xae: {  	[dreg:$0x2] =	wrdreg s2  }
0xaf: {  	[dreg:$0x3] =	wrdreg s24  }
0xb0: {  	[dreg:$0x4] =	wrdreg $0x0  }
0xb1: {  	[dreg:$0x5] =	wrdreg $0x9  }
0xb2: {  	_ =	task.clear_ibuf [dreg:s7], $0x6FFFF;
	_ =	strace $0x90000049  }
0xb3: {  	s29 =	simm.s32 $0x9;
	_ =	strace $0x8000004B  }
0xb4: {  	_ =	swait.ge [sflag:s29], $0x1  }
0xb5: {  	[sflag:s29] =	ssyncadd.s32 $0xFFFFFFFF  }
0xb6: {  	_ =	strace $0x9000004B  }
0xb7: {  	_ =	sfence  }
0xb8: {  	s30 =	sld [smem:$0x0];
	_ =	sdelay $0x2  }
0xb9: {  	s31 =	sshll.u32 s1, $0xD;
	s1 =	sshrl.u32 s1, $0x2  }
0xba: {  	s3 =	sand.u32 $0x4000, s31;
	s1 =	sadd.s32 s1, s30  }
0xbb: {  	s0 =	sor.u32 s3, s0;
	s1 =	sshll.u32 s1, $0x11  }
0xbc: {  	s0 =	sor.u32 s1, s0  }
0xbd: {  	s0 =	sadd.s32 $0x8F2B, s0  }
0xbe: {  	[sflag:s0] =	ssyncadd.remote.s32 $0x1  }
0xbf: {  	_ =	sfence.sel $0xFFFF  }
0xc0: {  	[dreg:$0x0] =	wrdreg $0xFFFFFFFF;
	(pc) =	sbr.abs _section_cstart, $3  }
0xc1: {  	[dreg:$0x1] =	wrdreg $0xFFFFFFFF  }
0xc2: {  	_ =	task.clear_ibuf [dreg:s7], $0x2FFFF;
	_ =	strace $0x9FFFFFFF  }
0xc3: {  	(tm) =	ssettm $0x7FFFFFFF  }
tec
execute0_lowered:
.L_overlay_start_1:
0x0: {  	(tag) =	ssettag $0x1  }
0x1: {  	s0 =	rddreg [dreg:$0x0]  }
0x2: {  	s6 =	rddreg [dreg:$0x1];
	s1 =	srdreg.scid  }
0x3: {  	s3 =	rddreg [dreg:$0x2];
	s23 =	stileid.u32;
	s4 =	simm.s32 $0x0  }
0x4: {  	s18 =	simm.s32 $0x14000;
	s19 =	simm.s32 $0x14080;
	s20 =	simm.s32 $0x14100  }
0x5: {  	s21 =	simm.s32 $0x14180;
	s22 =	simm.s32 $0x2;
	s9 =	smul.u32 $0x14000, s23  }
0x6: {  	s28 =	simm.s32 $0x0;
	s7 =	sand.u32 $0x1, s1;
	s11 =	smul.u32 $0x50000, s23  }
0x7: {  	[smem:$0x7FF] =	sst s4;
	s5 =	sadd.s32 $0x2000, s6;
	s29 =	smul.u32 $0x2800, s23  }
0x8: {  	s15 =	sadd.s32 $0x2A000, s6;
	s17 =	sshll.u32 s23, $0x6;
	s8 =	smul.u32 $0x140000, s7  }
0x9: {  	_ =	strace $0x8000004A;
	s24 =	sshll.u32 s7, $0x4;
	s10 =	ssub.s32 $0x2, s7  }
0xa: {  	p0 =	seq.s32 s7, $0x1;
	s25 =	sshrl.u32 s10, $0x1;
	s26 =	sshrl.u32 s11, $0x2  }
0xb: {  	s8 =	sadd.s32 s9, s8;
	s9 =	sor.u32 s23, s24;
	s14 =	ssub.s32 s10, s25  }
0xc: {  	s16 =	sadd.s32 s26, s3;
	s23 =	simm.s32 $0x7D;
	s24 =	simm.s32 $0x14200  }
0xd: {  	s25 =	simm.s32 $0x1;
	s26 =	simm.s32 $0x18200;
	s8 =	sshrl.u32 s8, $0x3  }
0xe: {  	s14 =	smax.u32 s14, $0x1;
	s13 =	sadd.s32 s8, s6;
	s6 =	smul.u32 $0x2800, s9  }
.Ltmp0:
0xf: {  	s16 =	sshrl.u32 s16, $0x3;
	s9 =	sadd.s32 s5, s29;
	(pc) =	sbr.rel .LBB2_1-.Ltmp0, $4  }
0x10: {  	s13 =	sadd.s32 $0x2C800, s13;
	s9 =	smov.u32 @p0 s15;
	s7 =	sadd.s32 $0x50000, s6  }
0x11: {  	s15 =	sor.u32 $0x1C03, s17;
	s30 =	sshrl.u32 s6, $0x3;
	s31 =	sshrl.u32 s7, $0x3  }
0x12: {  	s17 =	simm.s32 $0x3;
	s8 =	sadd.s32 s0, s30;
	s2 =	sadd.s32 s0, s31  }
0x13: {  	s11 =	sadd.s32 $0x10, s8;
	s12 =	sadd.s32 $0xA010, s8;
	[dreg:$0x4] =	wrdreg s2  }
.LBB2_4:
0x14: {  	s28 =	sadd.s32 $0x1, s28  }
0x15: {  	p0 =	sne.s32 s28, s14  }
.Ltmp1:
0x16: {  	[bflag:$0x0] =	sbarrier.arrive $0xFFFF;
	(pc) =	sbr.rel @!p0 .LBB2_5-.Ltmp1, $4  }
0x17: {  	[hbm:s13], [sflag:s15] =	dma.local [spmem:s16], $0x2800  }
0x18: {  	_ =	swait.ge [sflag:s17], $0x2800  }
0x19: {  	[sflag:s17] =	ssyncset.done $0x0  }
0x1a: {  	[sflag:s17] =	ssyncadd.s32 $0xFFFFD800  }
.LBB2_1:
0x1b: {  	[spmem:s16], [sflag:s15] =	dma.local [hbm:s9], $0x2800  }
0x1c: {  	_ =	swait.ge [sflag:s17], $0x2800  }
0x1d: {  	[sflag:s17] =	ssyncset.done $0x0  }
0x1e: {  	[sflag:s17] =	ssyncadd.s32 $0xFFFFD800  }
0x1f: {  	[bflag:$0x0] =	sbarrier.arrive $0xFFFF  }
0x20: {  	[tilespmem:s18], [sflag:$0x2] =	stream.linear.gather [hbm4b:s8+s4], $0x80, $0x38;
	[tilespmem:$0x1C200] =	vst v63  }
0x21: {  	s1 =	rddreg [dreg:$0x4]  }
0x22: {  	[tilespmem:s19], [sflag:$0x2] =	stream.linear.gather [hbm4b:s1+s4], $0x80, $0x38;
	[tilespmem:$0x1C200] =	vst v63  }
0x23: {  	_ = 	snop  }
0x24: {  	[tilespmem:s20], [sflag:$0x2] =	stream.linear.gather [hbm4b:s11+s4], $0x80, $0x38;
	[tilespmem:$0x1C200] =	vst v63  }
0x25: {  	_ = 	snop  }
0x26: {  	[tilespmem:s21], [sflag:$0x2] =	stream.linear.gather [hbm4b:s12+s4], $0x80, $0x38;
	[tilespmem:$0x1C200] =	vst v63  }
0x27: {  	_ =	swait.ge [sflag:s22], $0x80  }
0x28: {  	[sflag:s22] =	ssyncset.done $0x0  }
0x29: {  	[sflag:s22] =	ssyncadd.s32 $0xFFFFFF80  }
0x2a: {  	_ =	swait.ge [sflag:s22], $0x80  }
0x2b: {  	[sflag:s22] =	ssyncset.done $0x0  }
0x2c: {  	s29 =	simm.s32 $0x180;
	[sflag:s22] =	ssyncadd.s32 $0xFFFFFF80  }
0x2d: {  	[tilespmem:s24], [sflag:$0x1] =	stream.indirect.gather [hbm4b:s5+s23], $0x80, s18, s23, $0xb8;
	[tilespmem:$0x1C200] =	vst v63  }
.LBB2_2:
0x2e: {  	_ =	swait.ge [sflag:s25], $0x3E80  }
0x2f: {  	[sflag:s25] =	ssyncset.done $0x0  }
0x30: {  	[sflag:s25] =	ssyncadd.s32 $0xFFFFC180  }
0x31: {  	_ =	swait.ge [sflag:s22], $0x80  }
0x32: {  	[sflag:s22] =	ssyncset.done $0x0  }
0x33: {  	[sflag:s22] =	ssyncadd.s32 $0xFFFFFF80  }
0x34: {  	p0 =	sne.s32 s29, $0x2880;
	_ =	swait.ge [sflag:s22], $0x80  }
0x35: {  	s30 =	sadd.s32 @p0 $0xFFFFFF80, s29;
	[sflag:s22] =	ssyncset.done $0x0  }
0x36: {  	s31 =	sand.u32 @p0 $0x7C00, s30;
	[sflag:s22] =	ssyncadd.s32 $0xFFFFFF80  }
0x37: {  	[tilespmem:s26], [sflag:$0x1] =	stream.indirect.gather [hbm4b:s5+s23], $0x80, s20, s23, $0xb8;
	[tilespmem:$0x1C200] =	vst v63  }
0x38: {  	s30 =	sand.u32 @p0 $0x300, s30;
	s1 =	sadd.s32 @p0 s6, s31  }
0x39: {  	[spmem:s3] =	stream.indirect.scatter.add.f32 [tilespmem:s24], [sflag:$0x3], $0x80, s19, s23, $0xb8;
	[tilespmem:$0x1C200] =	vst v63  }
0x3a: {  	s1 =	sor.u32 @p0 s30, s1;
	_ =	swait.ge [sflag:s17], $0x3E80  }
0x3b: {  	s2 =	simm.s32 @p0 $0x0;
	s1 =	sshrl.u32 @p0 s1, $0x3;
	[sflag:s17] =	ssyncset.done $0x0  }
0x3c: {  	s10 =	simm.s32 @p0 $0x14000;
	s1 =	sadd.s32 @p0 s0, s1;
	[sflag:s17] =	ssyncadd.s32 $0xFFFFC180  }
0x3d: {  	[tilespmem:s10], [sflag:$0x2] =	stream.linear.gather @p0 [hbm4b:s1+s2], $0x80, $0x38;
	[tilespmem:$0x1C200] =	vst v63  }
0x3e: {  	s1 =	sadd.s32 @p0 s7, s31  }
0x3f: {  	s1 =	sor.u32 @p0 s30, s1  }
0x40: {  	s1 =	sshrl.u32 @p0 s1, $0x3  }
0x41: {  	s30 =	simm.s32 @p0 $0x14080;
	s1 =	sadd.s32 @p0 s0, s1  }
0x42: {  	[tilespmem:s30], [sflag:$0x2] =	stream.linear.gather @p0 [hbm4b:s1+s2], $0x80, $0x38;
	[tilespmem:$0x1C200] =	vst v63  }
0x43: {  	s1 =	simm.s32 @p0 $0x1  }
0x44: {  	_ =	swait.ge @p0 [sflag:s1], $0x3E80  }
0x45: {  	[sflag:s1] =	ssyncset.done @p0 $0x0  }
0x46: {  	[sflag:s1] =	ssyncadd.s32 @p0 $0xFFFFC180;
	s1 =	simm.s32 @p0 $0x2  }
0x47: {  	_ =	swait.ge @p0 [sflag:s1], $0x80  }
0x48: {  	[sflag:s1] =	ssyncset.done @p0 $0x0  }
0x49: {  	[sflag:s1] =	ssyncadd.s32 @p0 $0xFFFFFF80  }
0x4a: {  	_ =	swait.ge @p0 [sflag:s1], $0x80  }
0x4b: {  	[sflag:s1] =	ssyncset.done @p0 $0x0  }
0x4c: {  	s2 =	simm.s32 @p0 $0x14200;
	[sflag:s1] =	ssyncadd.s32 @p0 $0xFFFFFF80;
	s1 =	simm.s32 @p0 $0x7D  }
0x4d: {  	[tilespmem:s2], [sflag:$0x1] =	stream.indirect.gather @p0 [hbm4b:s5+s1], $0x80, s10, s1, $0xb8;
	[tilespmem:$0x1C200] =	vst v63  }
0x4e: {  	s1 =	simm.s32 @!p0 $0x1  }
0x4f: {  	_ =	swait.ge @!p0 [sflag:s1], $0x3E80  }
0x50: {  	[sflag:s1] =	ssyncset.done @!p0 $0x0  }
0x51: {  	[sflag:s1] =	ssyncadd.s32 @!p0 $0xFFFFC180;
	p0 =	seq.s32 s29, $0x2880  }
.Ltmp2:
0x52: {  	_ = 	snop;
	(pc) =	sbr.rel @p0 .LBB2_4-.Ltmp2, $4  }
0x53: {  	[spmem:s3] =	stream.indirect.scatter.add.f32 [tilespmem:s26], [sflag:$0x3], $0x80, s21, s23, $0xb8;
	[tilespmem:$0x1C200] =	vst v63  }
0x54: {  	_ =	swait.ge [sflag:s17], $0x3E80  }
0x55: {  	[sflag:s17] =	ssyncset.done $0x0  }
0x56: {  	[sflag:s17] =	ssyncadd.s32 $0xFFFFC180  }
0x57: {  	s1 =	sand.u32 $0x7C00, s29  }
0x58: {  	s10 =	sand.u32 $0x380, s29;
	s2 =	sadd.s32 s6, s1  }
0x59: {  	s1 =	sadd.s32 s7, s1;
	s2 =	sor.u32 s10, s2  }
.Ltmp3:
0x5a: {  	s1 =	sor.u32 s10, s1;
	s2 =	sshrl.u32 s2, $0x3;
	(pc) =	sbr.rel .LBB2_2-.Ltmp3, $4  }
0x5b: {  	s1 =	sshrl.u32 s1, $0x3;
	s2 =	sadd.s32 s0, s2  }
0x5c: {  	[tilespmem:s20], [sflag:$0x2] =	stream.linear.gather [hbm4b:s2+s4], $0x80, $0x38;
	[tilespmem:$0x1C200] =	vst v63  }
0x5d: {  	s29 =	sadd.s32 $0x100, s29;
	s1 =	sadd.s32 s0, s1  }
0x5e: {  	[tilespmem:s21], [sflag:$0x2] =	stream.linear.gather [hbm4b:s1+s4], $0x80, $0x38;
	[tilespmem:$0x1C200] =	vst v63  }
.LBB2_5:
0x5f: {  	_ =	sfence.sel $0x180000  }
0x60: {  	[bflag:$0x0] =	sbarrier.arrive $0xFFFF  }
0x61: {  	_ =	strace $0x9000004A  }
0x62: {  	s0 =	stileid.u32;
	[bflag:$0x2] =	sbarrier.arrive $0xFFFF  }
0x63: {  	p0 =	sne.s32 s0, $0x0;
	s0 =	rddreg [dreg:$0x3]  }
0x64: {  	s0 =	sadd.s32 @!p0 $0x100000, s0  }
0x65: {  	[sflag:s0] =	ssyncadd.tile.s32 @!p0 $0x1;
	_ =	shalt  }
.Lfunc_end2:
_tile_overlayer_lowered:
.L_overlay_start_2:
0x66: {  	(tag) =	ssettag $0x2  }
0x67: {  	s0 =	rddreg [dreg:$0x0];
	s2 =	stileid.u32  }
0x68: {  	s1 =	rddreg [dreg:$0x1];
	p0 =	sne.s32 s2, $0x0  }
0x69: {  	s3 =	rddreg [dreg:$0x2];
	[bflag:$0x3] =	sbarrier.arrive $0xFFFF;
	s2 =	simm.s32 @!p0 $0x1C03  }
0x6a: {  	[timem:s3], [sflag:s2] =	dma.local @!p0 [hbm:s0], s1  }
0x6b: {  	s0 =	simm.s32 @!p0 $0x3  }
0x6c: {  	_ =	swait.ge @!p0 [sflag:s0], s1  }
0x6d: {  	s1 =	ssub.s32 @!p0 $0x0, s1;
	[sflag:s0] =	ssyncset.done @!p0 $0x0  }
0x6e: {  	[sflag:s0] =	ssyncadd.s32 @!p0 s1  }
0x6f: {  	[bflag:$0x3] =	sbarrier.arrive $0xFFFF  }
0x70: {  	_ =	shalt  }

</sc_bundles>
